<compile_context>
chip_gen: v7x
topology: tpu7x:2x2x1
jax: 0.10.2.dev20260603
libtpu: 0.0.44.dev20260713+nightly
codegen_flags: <defaults>
</compile_context>

<pallas_src>
import functools

import jax
import jax.numpy as jnp
from jax import lax
from jax.experimental import pallas as pl
from jax.experimental.pallas import tpu as pltpu
from jax.experimental.pallas import tpu_sc as plsc

TOTAL = 32768
NSEG = 16
VOCAB = 17
VPAD = 32
D = 512
NC = 2
NS = 16
NW = NC * NS
LANES = 16
TPW = TOTAL // NW
NVEC = TPW // LANES
NBIN = NSEG * VPAD


def _gather_lanes(vec, idx):
    dn = lax.GatherDimensionNumbers(
        offset_dims=(), collapsed_slice_dims=(0,), start_index_map=(0,)
    )
    return lax.gather(
        vec, idx[:, None], dn, (1,),
        mode=lax.GatherScatterMode.PROMISE_IN_BOUNDS,
    )


def _sc_hist_body(tok_hbm, cu_hbm, out_hbm, tok_v, cu_v, hist_v, red_v, sem):
    w = lax.axis_index("s") * NC + lax.axis_index("c")
    base = w * TPW
    cp = pltpu.async_copy(tok_hbm.at[pl.ds(base, TPW)], tok_v, sem)
    pltpu.sync_copy(cu_hbm.at[pl.ds(0, LANES)], cu_v)

    zero16 = jnp.zeros((LANES,), jnp.float32)

    def _zero(i, carry):
        hist_v[pl.ds(pl.multiple_of(i * LANES, LANES), LANES)] = zero16
        return carry

    lax.fori_loop(0, LANES * NBIN // LANES, _zero, 0, unroll=16)
    cp.wait()

    cu_r = cu_v[pl.ds(0, LANES)]
    iota16 = lax.iota(jnp.int32, LANES)
    lane_off = iota16 * NBIN
    ones16 = jnp.full((LANES,), 1.0, jnp.float32)

    def _scatter(j, idx):
        off = pl.multiple_of(j * LANES, LANES)
        tok = tok_v[pl.ds(off, LANES)]
        seg = jnp.zeros((LANES,), jnp.int32)
        for bit in (8, 4, 2, 1):
            cand = seg + bit
            v = _gather_lanes(cu_r, cand)
            seg = jnp.where(v <= idx, cand, seg)
        sidx = lane_off + seg * VPAD + tok
        plsc.addupdate_scatter(hist_v, [sidx], ones16)
        return idx + LANES

    lax.fori_loop(0, NVEC, _scatter, base + iota16, unroll=8)

    def _reduce(q, carry):
        qoff = pl.multiple_of(q * LANES, LANES)
        acc = hist_v[pl.ds(qoff, LANES)]
        for l in range(1, LANES):
            acc = acc + hist_v[pl.ds(l * NBIN + qoff, LANES)]
        red_v[q // 2, pl.ds(pl.multiple_of((q % 2) * LANES, LANES), LANES)] = acc
        return carry

    lax.fori_loop(0, NBIN // LANES, _reduce, 0, unroll=4)

    pltpu.sync_copy(red_v, out_hbm.at[w])


_sc_hist = functools.partial(
    pl.kernel,
    out_type=jax.ShapeDtypeStruct((NW, NSEG, VPAD), jnp.float32),
    mesh=plsc.VectorSubcoreMesh(
        core_axis_name="c", subcore_axis_name="s",
        num_cores=NC, num_subcores=NS,
    ),
    compiler_params=pltpu.CompilerParams(needs_layout_passes=False),
    scratch_types=[
        pltpu.VMEM((TPW,), jnp.int32),
        pltpu.VMEM((LANES,), jnp.int32),
        pltpu.VMEM((LANES * NBIN,), jnp.float32),
        pltpu.VMEM((NSEG, VPAD), jnp.float32),
        pltpu.SemaphoreType.DMA,
    ],
)(_sc_hist_body)


def _mlp_body(tab_ref, w1_ref, b1_ref, w2_ref, b2_ref, out_ref):
    h = jax.lax.dot_general(
        tab_ref[...], w1_ref[...], (((1,), (1,)), ((), ())),
        preferred_element_type=jnp.float32,
    ) + b1_ref[...][None, :]
    g = 0.5 * h * (1.0 + jax.lax.erf(h * 0.7071067811865476))
    out_ref[...] = jax.lax.dot_general(
        g, w2_ref[...], (((1,), (1,)), ((), ())),
        preferred_element_type=jnp.float32,
    ) + b2_ref[...][None, :]


def _combine_body(part_ref, mlp_ref, out_ref):
    hist = jnp.sum(part_ref[...], axis=0)
    counts = jnp.sum(hist, axis=1, keepdims=True)
    hn = hist[:, :VOCAB] / counts
    out_ref[...] = jnp.dot(hn, mlp_ref[...], preferred_element_type=jnp.float32)


def kernel(packed_tokens, cu_seq_lens, table, W1, b1, W2, b2):
    part3d = _sc_hist(packed_tokens, cu_seq_lens)
    mlp = pl.pallas_call(
        _mlp_body,
        out_shape=jax.ShapeDtypeStruct((VOCAB, D), jnp.float32),
    )(table, W1, b1, W2, b2)

    out = pl.pallas_call(
        _combine_body,
        out_shape=jax.ShapeDtypeStruct((NSEG, D), jnp.float32),
    )(part3d, mlp)
    return out

# --- scband reference (transcript-rebuilt; emitter-appended) ---
"""Pipeline reference for scband-trmencoder-63324997812695 (READ-ONLY COPY).

The authoritative reference and input builder live on the scoring server;
editing this copy changes nothing except your own understanding.
"""

import jax, jax.numpy as jnp
import numpy as np

VOCAB = 17
D = 512
B = 16
TOTAL = 32768


def setup_inputs(seed: int = 0) -> dict:
    key = jax.random.key(seed)
    k1, k2, k3, k4, k5 = jax.random.split(key, 5)
    packed_tokens = jax.random.randint(k1, (TOTAL,), 0, VOCAB, dtype=jnp.int32)
    # strictly increasing interior cut points -> no empty segments (avoids NaN in mean)
    inner = jnp.sort(jax.random.choice(k2, TOTAL - 1, (B - 1,), replace=False)) + 1
    cu_seq_lens = jnp.concatenate([
        jnp.zeros((1,), jnp.int32),
        inner.astype(jnp.int32),
        jnp.array([TOTAL], jnp.int32),
    ])
    table = jax.random.normal(k3, (VOCAB, D), dtype=jnp.float32)
    W1 = jax.random.normal(k4, (D, D), dtype=jnp.float32) * 0.02
    b1 = jnp.zeros((D,), jnp.float32)
    W2 = jax.random.normal(k5, (D, D), dtype=jnp.float32) * 0.02
    b2 = jnp.zeros((D,), jnp.float32)
    return {
        "packed_tokens": packed_tokens,
        "cu_seq_lens": cu_seq_lens,
        "table": table,
        "W1": W1,
        "b1": b1,
        "W2": W2,
        "b2": b2,
    }


def reference(packed_tokens, cu_seq_lens, table, W1, b1, W2, b2):
    # embedding lookup
    embeds = jnp.take(table, packed_tokens, axis=0)
    # proj: Linear -> GELU (exact, as torch nn.GELU default) -> Linear
    h = embeds @ W1.T + b1
    h = jax.nn.gelu(h, approximate=False)
    h = h @ W2.T + b2
    # ragged mean-pool per segment
    n_tok = h.shape[0]
    batch_size = cu_seq_lens.shape[0] - 1
    seg_ids = jnp.searchsorted(cu_seq_lens[1:], jnp.arange(n_tok), side="right")
    sums = jax.ops.segment_sum(h, seg_ids, num_segments=batch_size)
    counts = (cu_seq_lens[1:] - cu_seq_lens[:-1]).astype(h.dtype)
    pooled = sums / counts[:, None]
    return pooled

if __name__ == "__main__":
    import jax
    _d = setup_inputs()
    print(jax.jit(kernel)(*tuple(_d.values())))

</pallas_src>

<mosaic_0001>
#map = affine_map<(d0, d1) -> (0)>
#map1 = affine_map<(d0, d1) -> (0, 0, 0)>
module attributes {stable_mosaic.version = 14 : i64} {
  func.func @_sc_hist_body(%arg0: i32, %arg1: i32, %arg2: memref<32768xi32, #tpu.memory_space<hbm>>, %arg3: memref<17xi32, #tpu.memory_space<hbm>>, %arg4: memref<32x16x32xf32, #tpu.memory_space<hbm>>, %arg5: memref<1024xi32, #tpu.memory_space<vmem>>, %arg6: memref<16xi32, #tpu.memory_space<vmem>>, %arg7: memref<8192xf32, #tpu.memory_space<vmem>>, %arg8: memref<16x32xf32, #tpu.memory_space<vmem>>, %arg9: memref<!tpu.dma_semaphore, #tpu.memory_space<semaphore_mem>>) attributes {dimension_semantics = [#tpu.dimension_semantics<core_parallel>, #tpu.dimension_semantics<subcore_parallel>], iteration_bounds = array<i64: 2, 16>, scalar_prefetch = 0 : i64, scratch_operands = 5 : i64, tpu.core_type = #tpu.core_type<sc_vector_subcore>, window_params = [{transform_indices = #map}, {transform_indices = #map}, {transform_indices = #map1}]} {
    %mul3A = arith.constant 2 : i32
    %mul3A_0 = arith.muli %arg1, %mul3A : i32
    %add3A = arith.addi %mul3A_0, %arg0 : i32
    %mul3A_1 = arith.constant 1024 : i32
    %mul3A_2 = arith.muli %add3A, %mul3A_1 : i32
    %dma_start3A = tpu.memref_slice %arg2[%mul3A_2] : memref<32768xi32, #tpu.memory_space<hbm>> -> memref<1024xi32, #tpu.memory_space<hbm>>
    %dma_start3A_3 = tpu.memref_slice %arg2[%mul3A_2] : memref<32768xi32, #tpu.memory_space<hbm>> -> memref<1024xi32, #tpu.memory_space<hbm>>
    tpu.enqueue_dma source(%dma_start3A_3 : memref<1024xi32, #tpu.memory_space<hbm>>) target(%arg5 : memref<1024xi32, #tpu.memory_space<vmem>>) target_semaphore(%arg9 : memref<!tpu.dma_semaphore, #tpu.memory_space<semaphore_mem>>)
    "tpu.region"() ({
      %run_scoped3A = tpu.sem_alloc : memref<!tpu.dma_semaphore, #tpu.memory_space<semaphore_mem>>
      %dma_start3A_31 = arith.constant 0 : i32
      %dma_start3A_32 = tpu.memref_slice %arg3[%dma_start3A_31] : memref<17xi32, #tpu.memory_space<hbm>> -> memref<16xi32, #tpu.memory_space<hbm>>
      %dma_start3A_33 = arith.constant 0 : i32
      %dma_start3A_34 = tpu.memref_slice %arg3[%dma_start3A_33] : memref<17xi32, #tpu.memory_space<hbm>> -> memref<16xi32, #tpu.memory_space<hbm>>
      tpu.enqueue_dma source(%dma_start3A_34 : memref<16xi32, #tpu.memory_space<hbm>>) target(%arg6 : memref<16xi32, #tpu.memory_space<vmem>>) target_semaphore(%run_scoped3A : memref<!tpu.dma_semaphore, #tpu.memory_space<semaphore_mem>>)
      %dma_wait3A_35 = arith.constant 0 : i32
      %dma_wait3A_36 = tpu.memref_slice %arg3[%dma_wait3A_35] : memref<17xi32, #tpu.memory_space<hbm>> -> memref<16xi32, #tpu.memory_space<hbm>>
      %dma_wait3A_37 = arith.constant 0 : i32
      %dma_wait3A_38 = tpu.memref_slice %arg3[%dma_wait3A_37] : memref<17xi32, #tpu.memory_space<hbm>> -> memref<16xi32, #tpu.memory_space<hbm>>
      tpu.wait_dma2 semaphore(%run_scoped3A : memref<!tpu.dma_semaphore, #tpu.memory_space<semaphore_mem>>) src(%dma_wait3A_38 : memref<16xi32, #tpu.memory_space<hbm>>) dst(%arg6 : memref<16xi32, #tpu.memory_space<vmem>>)
      tpu.yield
    }) : () -> ()
    %broadcast_in_dim3A = arith.constant 0.000000e+00 : f32
    %broadcast_in_dim3A_4 = vector.broadcast %broadcast_in_dim3A : f32 to vector<16xf32>
    %scan3A = arith.constant 0 : i32
    %scan3A_5 = arith.constant 0 : i32
    %scan3A_6 = arith.constant 512 : i32
    %scan3A_7 = arith.addi %scan3A_5, %scan3A_6 : i32
    %scan3A_8 = arith.constant 16 : i32
    scf.for %scan3A_31 = %scan3A_5 to %scan3A_7 step %scan3A_8  : i32 {
      %mul3A_32 = arith.constant 16 : i32
      %mul3A_33 = arith.muli %scan3A_31, %mul3A_32 : i32
      %multiple_of3A = tpu.assume_multiple %mul3A_33, 16 : i32
      %swap3A = arith.index_cast %multiple_of3A : i32 to index
      %swap3A_34 = tpu.vector_load %arg7[%swap3A] {strides = array<i32>} : memref<8192xf32, #tpu.memory_space<vmem>>, vector<16xf32>,
      tpu.vector_store %arg7[%swap3A], %broadcast_in_dim3A_4 {strides = array<i32>} : memref<8192xf32, #tpu.memory_space<vmem>>, vector<16xf32>,
      %scan3A_35 = arith.constant 1 : i32
      %scan3A_36 = arith.addi %scan3A_31, %scan3A_35 : i32
      %mul3A_37 = arith.constant 16 : i32
      %mul3A_38 = arith.muli %scan3A_36, %mul3A_37 : i32
      %multiple_of3A_39 = tpu.assume_multiple %mul3A_38, 16 : i32
      %swap3A_40 = arith.index_cast %multiple_of3A_39 : i32 to index
      %swap3A_41 = tpu.vector_load %arg7[%swap3A_40] {strides = array<i32>} : memref<8192xf32, #tpu.memory_space<vmem>>, vector<16xf32>,
      tpu.vector_store %arg7[%swap3A_40], %broadcast_in_dim3A_4 {strides = array<i32>} : memref<8192xf32, #tpu.memory_space<vmem>>, vector<16xf32>,
      %scan3A_42 = arith.constant 2 : i32
      %scan3A_43 = arith.addi %scan3A_31, %scan3A_42 : i32
      %mul3A_44 = arith.constant 16 : i32
      %mul3A_45 = arith.muli %scan3A_43, %mul3A_44 : i32
      %multiple_of3A_46 = tpu.assume_multiple %mul3A_45, 16 : i32
      %swap3A_47 = arith.index_cast %multiple_of3A_46 : i32 to index
      %swap3A_48 = tpu.vector_load %arg7[%swap3A_47] {strides = array<i32>} : memref<8192xf32, #tpu.memory_space<vmem>>, vector<16xf32>,
      tpu.vector_store %arg7[%swap3A_47], %broadcast_in_dim3A_4 {strides = array<i32>} : memref<8192xf32, #tpu.memory_space<vmem>>, vector<16xf32>,
      %scan3A_49 = arith.constant 3 : i32
      %scan3A_50 = arith.addi %scan3A_31, %scan3A_49 : i32
      %mul3A_51 = arith.constant 16 : i32
      %mul3A_52 = arith.muli %scan3A_50, %mul3A_51 : i32
      %multiple_of3A_53 = tpu.assume_multiple %mul3A_52, 16 : i32
      %swap3A_54 = arith.index_cast %multiple_of3A_53 : i32 to index
      %swap3A_55 = tpu.vector_load %arg7[%swap3A_54] {strides = array<i32>} : memref<8192xf32, #tpu.memory_space<vmem>>, vector<16xf32>,
      tpu.vector_store %arg7[%swap3A_54], %broadcast_in_dim3A_4 {strides = array<i32>} : memref<8192xf32, #tpu.memory_space<vmem>>, vector<16xf32>,
      %scan3A_56 = arith.constant 4 : i32
      %scan3A_57 = arith.addi %scan3A_31, %scan3A_56 : i32
      %mul3A_58 = arith.constant 16 : i32
      %mul3A_59 = arith.muli %scan3A_57, %mul3A_58 : i32
      %multiple_of3A_60 = tpu.assume_multiple %mul3A_59, 16 : i32
      %swap3A_61 = arith.index_cast %multiple_of3A_60 : i32 to index
      %swap3A_62 = tpu.vector_load %arg7[%swap3A_61] {strides = array<i32>} : memref<8192xf32, #tpu.memory_space<vmem>>, vector<16xf32>,
      tpu.vector_store %arg7[%swap3A_61], %broadcast_in_dim3A_4 {strides = array<i32>} : memref<8192xf32, #tpu.memory_space<vmem>>, vector<16xf32>,
      %scan3A_63 = arith.constant 5 : i32
      %scan3A_64 = arith.addi %scan3A_31, %scan3A_63 : i32
      %mul3A_65 = arith.constant 16 : i32
      %mul3A_66 = arith.muli %scan3A_64, %mul3A_65 : i32
      %multiple_of3A_67 = tpu.assume_multiple %mul3A_66, 16 : i32
      %swap3A_68 = arith.index_cast %multiple_of3A_67 : i32 to index
      %swap3A_69 = tpu.vector_load %arg7[%swap3A_68] {strides = array<i32>} : memref<8192xf32, #tpu.memory_space<vmem>>, vector<16xf32>,
      tpu.vector_store %arg7[%swap3A_68], %broadcast_in_dim3A_4 {strides = array<i32>} : memref<8192xf32, #tpu.memory_space<vmem>>, vector<16xf32>,
      %scan3A_70 = arith.constant 6 : i32
      %scan3A_71 = arith.addi %scan3A_31, %scan3A_70 : i32
      %mul3A_72 = arith.constant 16 : i32
      %mul3A_73 = arith.muli %scan3A_71, %mul3A_72 : i32
      %multiple_of3A_74 = tpu.assume_multiple %mul3A_73, 16 : i32
      %swap3A_75 = arith.index_cast %multiple_of3A_74 : i32 to index
      %swap3A_76 = tpu.vector_load %arg7[%swap3A_75] {strides = array<i32>} : memref<8192xf32, #tpu.memory_space<vmem>>, vector<16xf32>,
      tpu.vector_store %arg7[%swap3A_75], %broadcast_in_dim3A_4 {strides = array<i32>} : memref<8192xf32, #tpu.memory_space<vmem>>, vector<16xf32>,
      %scan3A_77 = arith.constant 7 : i32
      %scan3A_78 = arith.addi %scan3A_31, %scan3A_77 : i32
      %mul3A_79 = arith.constant 16 : i32
      %mul3A_80 = arith.muli %scan3A_78, %mul3A_79 : i32
      %multiple_of3A_81 = tpu.assume_multiple %mul3A_80, 16 : i32
      %swap3A_82 = arith.index_cast %multiple_of3A_81 : i32 to index
      %swap3A_83 = tpu.vector_load %arg7[%swap3A_82] {strides = array<i32>} : memref<8192xf32, #tpu.memory_space<vmem>>, vector<16xf32>,
      tpu.vector_store %arg7[%swap3A_82], %broadcast_in_dim3A_4 {strides = array<i32>} : memref<8192xf32, #tpu.memory_space<vmem>>, vector<16xf32>,
      %scan3A_84 = arith.constant 8 : i32
      %scan3A_85 = arith.addi %scan3A_31, %scan3A_84 : i32
      %mul3A_86 = arith.constant 16 : i32
      %mul3A_87 = arith.muli %scan3A_85, %mul3A_86 : i32
      %multiple_of3A_88 = tpu.assume_multiple %mul3A_87, 16 : i32
      %swap3A_89 = arith.index_cast %multiple_of3A_88 : i32 to index
      %swap3A_90 = tpu.vector_load %arg7[%swap3A_89] {strides = array<i32>} : memref<8192xf32, #tpu.memory_space<vmem>>, vector<16xf32>,
      tpu.vector_store %arg7[%swap3A_89], %broadcast_in_dim3A_4 {strides = array<i32>} : memref<8192xf32, #tpu.memory_space<vmem>>, vector<16xf32>,
      %scan3A_91 = arith.constant 9 : i32
      %scan3A_92 = arith.addi %scan3A_31, %scan3A_91 : i32
      %mul3A_93 = arith.constant 16 : i32
      %mul3A_94 = arith.muli %scan3A_92, %mul3A_93 : i32
      %multiple_of3A_95 = tpu.assume_multiple %mul3A_94, 16 : i32
      %swap3A_96 = arith.index_cast %multiple_of3A_95 : i32 to index
      %swap3A_97 = tpu.vector_load %arg7[%swap3A_96] {strides = array<i32>} : memref<8192xf32, #tpu.memory_space<vmem>>, vector<16xf32>,
      tpu.vector_store %arg7[%swap3A_96], %broadcast_in_dim3A_4 {strides = array<i32>} : memref<8192xf32, #tpu.memory_space<vmem>>, vector<16xf32>,
      %scan3A_98 = arith.constant 10 : i32
      %scan3A_99 = arith.addi %scan3A_31, %scan3A_98 : i32
      %mul3A_100 = arith.constant 16 : i32
      %mul3A_101 = arith.muli %scan3A_99, %mul3A_100 : i32
      %multiple_of3A_102 = tpu.assume_multiple %mul3A_101, 16 : i32
      %swap3A_103 = arith.index_cast %multiple_of3A_102 : i32 to index
      %swap3A_104 = tpu.vector_load %arg7[%swap3A_103] {strides = array<i32>} : memref<8192xf32, #tpu.memory_space<vmem>>, vector<16xf32>,
      tpu.vector_store %arg7[%swap3A_103], %broadcast_in_dim3A_4 {strides = array<i32>} : memref<8192xf32, #tpu.memory_space<vmem>>, vector<16xf32>,
      %scan3A_105 = arith.constant 11 : i32
      %scan3A_106 = arith.addi %scan3A_31, %scan3A_105 : i32
      %mul3A_107 = arith.constant 16 : i32
      %mul3A_108 = arith.muli %scan3A_106, %mul3A_107 : i32
      %multiple_of3A_109 = tpu.assume_multiple %mul3A_108, 16 : i32
      %swap3A_110 = arith.index_cast %multiple_of3A_109 : i32 to index
      %swap3A_111 = tpu.vector_load %arg7[%swap3A_110] {strides = array<i32>} : memref<8192xf32, #tpu.memory_space<vmem>>, vector<16xf32>,
      tpu.vector_store %arg7[%swap3A_110], %broadcast_in_dim3A_4 {strides = array<i32>} : memref<8192xf32, #tpu.memory_space<vmem>>, vector<16xf32>,
      %scan3A_112 = arith.constant 12 : i32
      %scan3A_113 = arith.addi %scan3A_31, %scan3A_112 : i32
      %mul3A_114 = arith.constant 16 : i32
      %mul3A_115 = arith.muli %scan3A_113, %mul3A_114 : i32
      %multiple_of3A_116 = tpu.assume_multiple %mul3A_115, 16 : i32
      %swap3A_117 = arith.index_cast %multiple_of3A_116 : i32 to index
      %swap3A_118 = tpu.vector_load %arg7[%swap3A_117] {strides = array<i32>} : memref<8192xf32, #tpu.memory_space<vmem>>, vector<16xf32>,
      tpu.vector_store %arg7[%swap3A_117], %broadcast_in_dim3A_4 {strides = array<i32>} : memref<8192xf32, #tpu.memory_space<vmem>>, vector<16xf32>,
      %scan3A_119 = arith.constant 13 : i32
      %scan3A_120 = arith.addi %scan3A_31, %scan3A_119 : i32
      %mul3A_121 = arith.constant 16 : i32
      %mul3A_122 = arith.muli %scan3A_120, %mul3A_121 : i32
      %multiple_of3A_123 = tpu.assume_multiple %mul3A_122, 16 : i32
      %swap3A_124 = arith.index_cast %multiple_of3A_123 : i32 to index
      %swap3A_125 = tpu.vector_load %arg7[%swap3A_124] {strides = array<i32>} : memref<8192xf32, #tpu.memory_space<vmem>>, vector<16xf32>,
      tpu.vector_store %arg7[%swap3A_124], %broadcast_in_dim3A_4 {strides = array<i32>} : memref<8192xf32, #tpu.memory_space<vmem>>, vector<16xf32>,
      %scan3A_126 = arith.constant 14 : i32
      %scan3A_127 = arith.addi %scan3A_31, %scan3A_126 : i32
      %mul3A_128 = arith.constant 16 : i32
      %mul3A_129 = arith.muli %scan3A_127, %mul3A_128 : i32
      %multiple_of3A_130 = tpu.assume_multiple %mul3A_129, 16 : i32
      %swap3A_131 = arith.index_cast %multiple_of3A_130 : i32 to index
      %swap3A_132 = tpu.vector_load %arg7[%swap3A_131] {strides = array<i32>} : memref<8192xf32, #tpu.memory_space<vmem>>, vector<16xf32>,
      tpu.vector_store %arg7[%swap3A_131], %broadcast_in_dim3A_4 {strides = array<i32>} : memref<8192xf32, #tpu.memory_space<vmem>>, vector<16xf32>,
      %scan3A_133 = arith.constant 15 : i32
      %scan3A_134 = arith.addi %scan3A_31, %scan3A_133 : i32
      %mul3A_135 = arith.constant 16 : i32
      %mul3A_136 = arith.muli %scan3A_134, %mul3A_135 : i32
      %multiple_of3A_137 = tpu.assume_multiple %mul3A_136, 16 : i32
      %swap3A_138 = arith.index_cast %multiple_of3A_137 : i32 to index
      %swap3A_139 = tpu.vector_load %arg7[%swap3A_138] {strides = array<i32>} : memref<8192xf32, #tpu.memory_space<vmem>>, vector<16xf32>,
      tpu.vector_store %arg7[%swap3A_138], %broadcast_in_dim3A_4 {strides = array<i32>} : memref<8192xf32, #tpu.memory_space<vmem>>, vector<16xf32>,
    }
    %scan3A_9 = arith.constant 512 : i32
    %dma_wait3A = tpu.memref_slice %arg2[%mul3A_2] : memref<32768xi32, #tpu.memory_space<hbm>> -> memref<1024xi32, #tpu.memory_space<hbm>>
    %dma_wait3A_10 = tpu.memref_slice %arg2[%mul3A_2] : memref<32768xi32, #tpu.memory_space<hbm>> -> memref<1024xi32, #tpu.memory_space<hbm>>
    tpu.wait_dma2 semaphore(%arg9 : memref<!tpu.dma_semaphore, #tpu.memory_space<semaphore_mem>>) src(%dma_wait3A_10 : memref<1024xi32, #tpu.memory_space<hbm>>) dst(%arg5 : memref<1024xi32, #tpu.memory_space<vmem>>)
    %get3A = arith.constant 0 : index
    %get3A_11 = tpu.vector_load %arg6[%get3A] {strides = array<i32>} : memref<16xi32, #tpu.memory_space<vmem>>, vector<16xi32>,
    %iota3A = tpu.iota {dimensions = array<i32: 0>} : vector<16xi32>
    %mul3A_12 = arith.constant 512 : i32
    %mul3A_13 = vector.broadcast %mul3A_12 : i32 to vector<16xi32>
    %mul3A_14 = arith.muli %iota3A, %mul3A_13 : vector<16xi32>
    %broadcast_in_dim3A_15 = arith.constant 1.000000e+00 : f32
    %broadcast_in_dim3A_16 = vector.broadcast %broadcast_in_dim3A_15 : f32 to vector<16xf32>
    %add3A_17 = vector.broadcast %mul3A_2 : i32 to vector<16xi32>
    %add3A_18 = arith.addi %add3A_17, %iota3A : vector<16xi32>
    %scan3A_19 = arith.constant 0 : i32
    %scan3A_20 = arith.constant 64 : i32
    %scan3A_21 = arith.addi %scan3A_19, %scan3A_20 : i32
    %scan3A_22 = arith.constant 8 : i32
    %scan3A_23 = scf.for %scan3A_31 = %scan3A_19 to %scan3A_21 step %scan3A_22 iter_args(%scan3A_32 = %add3A_18) -> (vector<16xi32>)  : i32 {
      %mul3A_33 = arith.constant 16 : i32
      %mul3A_34 = arith.muli %scan3A_31, %mul3A_33 : i32
      %multiple_of3A = tpu.assume_multiple %mul3A_34, 16 : i32
      %get3A_35 = arith.index_cast %multiple_of3A : i32 to index
      %get3A_36 = tpu.vector_load %arg5[%get3A_35] {strides = array<i32>} : memref<1024xi32, #tpu.memory_space<vmem>>, vector<16xi32>,
      %broadcast_in_dim3A_37 = arith.constant 0 : i32
      %broadcast_in_dim3A_38 = vector.broadcast %broadcast_in_dim3A_37 : i32 to vector<16xi32>
      %add3A_39 = arith.constant 8 : i32
      %add3A_40 = vector.broadcast %add3A_39 : i32 to vector<16xi32>
      %add3A_41 = arith.addi %broadcast_in_dim3A_38, %add3A_40 : vector<16xi32>
      %broadcast_in_dim3A_42 = vector.shape_cast %add3A_41 : vector<16xi32> to vector<16x1xi32>
      %gather3A = vector.shape_cast %broadcast_in_dim3A_42 : vector<16x1xi32> to vector<16xi32>
      %gather3A_43 = tpu.dynamic_gather %get3A_11[%gather3A] in [0] : vector<16xi32>, vector<16xi32> -> vector<16xi32>
      %le3A = arith.cmpi sle, %gather3A_43, %scan3A_32 : vector<16xi32>
      %select_n3A = arith.select %le3A, %add3A_41, %broadcast_in_dim3A_38 : vector<16xi1>, vector<16xi32>
      %add3A_44 = arith.constant 4 : i32
      %add3A_45 = vector.broadcast %add3A_44 : i32 to vector<16xi32>
      %add3A_46 = arith.addi %select_n3A, %add3A_45 : vector<16xi32>
      %broadcast_in_dim3A_47 = vector.shape_cast %add3A_46 : vector<16xi32> to vector<16x1xi32>
      %gather3A_48 = vector.shape_cast %broadcast_in_dim3A_47 : vector<16x1xi32> to vector<16xi32>
      %gather3A_49 = tpu.dynamic_gather %get3A_11[%gather3A_48] in [0] : vector<16xi32>, vector<16xi32> -> vector<16xi32>
      %le3A_50 = arith.cmpi sle, %gather3A_49, %scan3A_32 : vector<16xi32>
      %select_n3A_51 = arith.select %le3A_50, %add3A_46, %select_n3A : vector<16xi1>, vector<16xi32>
      %add3A_52 = arith.constant 2 : i32
      %add3A_53 = vector.broadcast %add3A_52 : i32 to vector<16xi32>
      %add3A_54 = arith.addi %select_n3A_51, %add3A_53 : vector<16xi32>
      %broadcast_in_dim3A_55 = vector.shape_cast %add3A_54 : vector<16xi32> to vector<16x1xi32>
      %gather3A_56 = vector.shape_cast %broadcast_in_dim3A_55 : vector<16x1xi32> to vector<16xi32>
      %gather3A_57 = tpu.dynamic_gather %get3A_11[%gather3A_56] in [0] : vector<16xi32>, vector<16xi32> -> vector<16xi32>
      %le3A_58 = arith.cmpi sle, %gather3A_57, %scan3A_32 : vector<16xi32>
      %select_n3A_59 = arith.select %le3A_58, %add3A_54, %select_n3A_51 : vector<16xi1>, vector<16xi32>
      %add3A_60 = arith.constant 1 : i32
      %add3A_61 = vector.broadcast %add3A_60 : i32 to vector<16xi32>
      %add3A_62 = arith.addi %select_n3A_59, %add3A_61 : vector<16xi32>
      %broadcast_in_dim3A_63 = vector.shape_cast %add3A_62 : vector<16xi32> to vector<16x1xi32>
      %gather3A_64 = vector.shape_cast %broadcast_in_dim3A_63 : vector<16x1xi32> to vector<16xi32>
      %gather3A_65 = tpu.dynamic_gather %get3A_11[%gather3A_64] in [0] : vector<16xi32>, vector<16xi32> -> vector<16xi32>
      %le3A_66 = arith.cmpi sle, %gather3A_65, %scan3A_32 : vector<16xi32>
      %select_n3A_67 = arith.select %le3A_66, %add3A_62, %select_n3A_59 : vector<16xi1>, vector<16xi32>
      %mul3A_68 = arith.constant 32 : i32
      %mul3A_69 = vector.broadcast %mul3A_68 : i32 to vector<16xi32>
      %mul3A_70 = arith.muli %select_n3A_67, %mul3A_69 : vector<16xi32>
      %add3A_71 = arith.addi %mul3A_14, %mul3A_70 : vector<16xi32>
      %add3A_72 = arith.addi %add3A_71, %get3A_36 : vector<16xi32>
      tpu.vector_store_idx %arg7[%add3A_72], %broadcast_in_dim3A_16 {add = true} : memref<8192xf32, #tpu.memory_space<vmem>>[vector<16xi32>], vector<16xf32>,
      %add3A_73 = arith.constant 16 : i32
      %add3A_74 = vector.broadcast %add3A_73 : i32 to vector<16xi32>
      %add3A_75 = arith.addi %scan3A_32, %add3A_74 : vector<16xi32>
      %scan3A_76 = arith.constant 1 : i32
      %scan3A_77 = arith.addi %scan3A_31, %scan3A_76 : i32
      %mul3A_78 = arith.constant 16 : i32
      %mul3A_79 = arith.muli %scan3A_77, %mul3A_78 : i32
      %multiple_of3A_80 = tpu.assume_multiple %mul3A_79, 16 : i32
      %get3A_81 = arith.index_cast %multiple_of3A_80 : i32 to index
      %get3A_82 = tpu.vector_load %arg5[%get3A_81] {strides = array<i32>} : memref<1024xi32, #tpu.memory_space<vmem>>, vector<16xi32>,
      %broadcast_in_dim3A_83 = arith.constant 0 : i32
      %broadcast_in_dim3A_84 = vector.broadcast %broadcast_in_dim3A_83 : i32 to vector<16xi32>
      %add3A_85 = arith.constant 8 : i32
      %add3A_86 = vector.broadcast %add3A_85 : i32 to vector<16xi32>
      %add3A_87 = arith.addi %broadcast_in_dim3A_84, %add3A_86 : vector<16xi32>
      %broadcast_in_dim3A_88 = vector.shape_cast %add3A_87 : vector<16xi32> to vector<16x1xi32>
      %gather3A_89 = vector.shape_cast %broadcast_in_dim3A_88 : vector<16x1xi32> to vector<16xi32>
      %gather3A_90 = tpu.dynamic_gather %get3A_11[%gather3A_89] in [0] : vector<16xi32>, vector<16xi32> -> vector<16xi32>
      %le3A_91 = arith.cmpi sle, %gather3A_90, %add3A_75 : vector<16xi32>
      %select_n3A_92 = arith.select %le3A_91, %add3A_87, %broadcast_in_dim3A_84 : vector<16xi1>, vector<16xi32>
      %add3A_93 = arith.constant 4 : i32
      %add3A_94 = vector.broadcast %add3A_93 : i32 to vector<16xi32>
      %add3A_95 = arith.addi %select_n3A_92, %add3A_94 : vector<16xi32>
      %broadcast_in_dim3A_96 = vector.shape_cast %add3A_95 : vector<16xi32> to vector<16x1xi32>
      %gather3A_97 = vector.shape_cast %broadcast_in_dim3A_96 : vector<16x1xi32> to vector<16xi32>
      %gather3A_98 = tpu.dynamic_gather %get3A_11[%gather3A_97] in [0] : vector<16xi32>, vector<16xi32> -> vector<16xi32>
      %le3A_99 = arith.cmpi sle, %gather3A_98, %add3A_75 : vector<16xi32>
      %select_n3A_100 = arith.select %le3A_99, %add3A_95, %select_n3A_92 : vector<16xi1>, vector<16xi32>
      %add3A_101 = arith.constant 2 : i32
      %add3A_102 = vector.broadcast %add3A_101 : i32 to vector<16xi32>
      %add3A_103 = arith.addi %select_n3A_100, %add3A_102 : vector<16xi32>
      %broadcast_in_dim3A_104 = vector.shape_cast %add3A_103 : vector<16xi32> to vector<16x1xi32>
      %gather3A_105 = vector.shape_cast %broadcast_in_dim3A_104 : vector<16x1xi32> to vector<16xi32>
      %gather3A_106 = tpu.dynamic_gather %get3A_11[%gather3A_105] in [0] : vector<16xi32>, vector<16xi32> -> vector<16xi32>
      %le3A_107 = arith.cmpi sle, %gather3A_106, %add3A_75 : vector<16xi32>
      %select_n3A_108 = arith.select %le3A_107, %add3A_103, %select_n3A_100 : vector<16xi1>, vector<16xi32>
      %add3A_109 = arith.constant 1 : i32
      %add3A_110 = vector.broadcast %add3A_109 : i32 to vector<16xi32>
      %add3A_111 = arith.addi %select_n3A_108, %add3A_110 : vector<16xi32>
      %broadcast_in_dim3A_112 = vector.shape_cast %add3A_111 : vector<16xi32> to vector<16x1xi32>
      %gather3A_113 = vector.shape_cast %broadcast_in_dim3A_112 : vector<16x1xi32> to vector<16xi32>
      %gather3A_114 = tpu.dynamic_gather %get3A_11[%gather3A_113] in [0] : vector<16xi32>, vector<16xi32> -> vector<16xi32>
      %le3A_115 = arith.cmpi sle, %gather3A_114, %add3A_75 : vector<16xi32>
      %select_n3A_116 = arith.select %le3A_115, %add3A_111, %select_n3A_108 : vector<16xi1>, vector<16xi32>
      %mul3A_117 = arith.constant 32 : i32
      %mul3A_118 = vector.broadcast %mul3A_117 : i32 to vector<16xi32>
      %mul3A_119 = arith.muli %select_n3A_116, %mul3A_118 : vector<16xi32>
      %add3A_120 = arith.addi %mul3A_14, %mul3A_119 : vector<16xi32>
      %add3A_121 = arith.addi %add3A_120, %get3A_82 : vector<16xi32>
      tpu.vector_store_idx %arg7[%add3A_121], %broadcast_in_dim3A_16 {add = true} : memref<8192xf32, #tpu.memory_space<vmem>>[vector<16xi32>], vector<16xf32>,
      %add3A_122 = arith.constant 16 : i32
      %add3A_123 = vector.broadcast %add3A_122 : i32 to vector<16xi32>
      %add3A_124 = arith.addi %add3A_75, %add3A_123 : vector<16xi32>
      %scan3A_125 = arith.constant 2 : i32
      %scan3A_126 = arith.addi %scan3A_31, %scan3A_125 : i32
      %mul3A_127 = arith.constant 16 : i32
      %mul3A_128 = arith.muli %scan3A_126, %mul3A_127 : i32
      %multiple_of3A_129 = tpu.assume_multiple %mul3A_128, 16 : i32
      %get3A_130 = arith.index_cast %multiple_of3A_129 : i32 to index
      %get3A_131 = tpu.vector_load %arg5[%get3A_130] {strides = array<i32>} : memref<1024xi32, #tpu.memory_space<vmem>>, vector<16xi32>,
      %broadcast_in_dim3A_132 = arith.constant 0 : i32
      %broadcast_in_dim3A_133 = vector.broadcast %broadcast_in_dim3A_132 : i32 to vector<16xi32>
      %add3A_134 = arith.constant 8 : i32
      %add3A_135 = vector.broadcast %add3A_134 : i32 to vector<16xi32>
      %add3A_136 = arith.addi %broadcast_in_dim3A_133, %add3A_135 : vector<16xi32>
      %broadcast_in_dim3A_137 = vector.shape_cast %add3A_136 : vector<16xi32> to vector<16x1xi32>
      %gather3A_138 = vector.shape_cast %broadcast_in_dim3A_137 : vector<16x1xi32> to vector<16xi32>
      %gather3A_139 = tpu.dynamic_gather %get3A_11[%gather3A_138] in [0] : vector<16xi32>, vector<16xi32> -> vector<16xi32>
      %le3A_140 = arith.cmpi sle, %gather3A_139, %add3A_124 : vector<16xi32>
      %select_n3A_141 = arith.select %le3A_140, %add3A_136, %broadcast_in_dim3A_133 : vector<16xi1>, vector<16xi32>
      %add3A_142 = arith.constant 4 : i32
      %add3A_143 = vector.broadcast %add3A_142 : i32 to vector<16xi32>
      %add3A_144 = arith.addi %select_n3A_141, %add3A_143 : vector<16xi32>
      %broadcast_in_dim3A_145 = vector.shape_cast %add3A_144 : vector<16xi32> to vector<16x1xi32>
      %gather3A_146 = vector.shape_cast %broadcast_in_dim3A_145 : vector<16x1xi32> to vector<16xi32>
      %gather3A_147 = tpu.dynamic_gather %get3A_11[%gather3A_146] in [0] : vector<16xi32>, vector<16xi32> -> vector<16xi32>
      %le3A_148 = arith.cmpi sle, %gather3A_147, %add3A_124 : vector<16xi32>
      %select_n3A_149 = arith.select %le3A_148, %add3A_144, %select_n3A_141 : vector<16xi1>, vector<16xi32>
      %add3A_150 = arith.constant 2 : i32
      %add3A_151 = vector.broadcast %add3A_150 : i32 to vector<16xi32>
      %add3A_152 = arith.addi %select_n3A_149, %add3A_151 : vector<16xi32>
      %broadcast_in_dim3A_153 = vector.shape_cast %add3A_152 : vector<16xi32> to vector<16x1xi32>
      %gather3A_154 = vector.shape_cast %broadcast_in_dim3A_153 : vector<16x1xi32> to vector<16xi32>
      %gather3A_155 = tpu.dynamic_gather %get3A_11[%gather3A_154] in [0] : vector<16xi32>, vector<16xi32> -> vector<16xi32>
      %le3A_156 = arith.cmpi sle, %gather3A_155, %add3A_124 : vector<16xi32>
      %select_n3A_157 = arith.select %le3A_156, %add3A_152, %select_n3A_149 : vector<16xi1>, vector<16xi32>
      %add3A_158 = arith.constant 1 : i32
      %add3A_159 = vector.broadcast %add3A_158 : i32 to vector<16xi32>
      %add3A_160 = arith.addi %select_n3A_157, %add3A_159 : vector<16xi32>
      %broadcast_in_dim3A_161 = vector.shape_cast %add3A_160 : vector<16xi32> to vector<16x1xi32>
      %gather3A_162 = vector.shape_cast %broadcast_in_dim3A_161 : vector<16x1xi32> to vector<16xi32>
      %gather3A_163 = tpu.dynamic_gather %get3A_11[%gather3A_162] in [0] : vector<16xi32>, vector<16xi32> -> vector<16xi32>
      %le3A_164 = arith.cmpi sle, %gather3A_163, %add3A_124 : vector<16xi32>
      %select_n3A_165 = arith.select %le3A_164, %add3A_160, %select_n3A_157 : vector<16xi1>, vector<16xi32>
      %mul3A_166 = arith.constant 32 : i32
      %mul3A_167 = vector.broadcast %mul3A_166 : i32 to vector<16xi32>
      %mul3A_168 = arith.muli %select_n3A_165, %mul3A_167 : vector<16xi32>
      %add3A_169 = arith.addi %mul3A_14, %mul3A_168 : vector<16xi32>
      %add3A_170 = arith.addi %add3A_169, %get3A_131 : vector<16xi32>
      tpu.vector_store_idx %arg7[%add3A_170], %broadcast_in_dim3A_16 {add = true} : memref<8192xf32, #tpu.memory_space<vmem>>[vector<16xi32>], vector<16xf32>,
      %add3A_171 = arith.constant 16 : i32
      %add3A_172 = vector.broadcast %add3A_171 : i32 to vector<16xi32>
      %add3A_173 = arith.addi %add3A_124, %add3A_172 : vector<16xi32>
      %scan3A_174 = arith.constant 3 : i32
      %scan3A_175 = arith.addi %scan3A_31, %scan3A_174 : i32
      %mul3A_176 = arith.constant 16 : i32
      %mul3A_177 = arith.muli %scan3A_175, %mul3A_176 : i32
      %multiple_of3A_178 = tpu.assume_multiple %mul3A_177, 16 : i32
      %get3A_179 = arith.index_cast %multiple_of3A_178 : i32 to index
      %get3A_180 = tpu.vector_load %arg5[%get3A_179] {strides = array<i32>} : memref<1024xi32, #tpu.memory_space<vmem>>, vector<16xi32>,
      %broadcast_in_dim3A_181 = arith.constant 0 : i32
      %broadcast_in_dim3A_182 = vector.broadcast %broadcast_in_dim3A_181 : i32 to vector<16xi32>
      %add3A_183 = arith.constant 8 : i32
      %add3A_184 = vector.broadcast %add3A_183 : i32 to vector<16xi32>
      %add3A_185 = arith.addi %broadcast_in_dim3A_182, %add3A_184 : vector<16xi32>
      %broadcast_in_dim3A_186 = vector.shape_cast %add3A_185 : vector<16xi32> to vector<16x1xi32>
      %gather3A_187 = vector.shape_cast %broadcast_in_dim3A_186 : vector<16x1xi32> to vector<16xi32>
      %gather3A_188 = tpu.dynamic_gather %get3A_11[%gather3A_187] in [0] : vector<16xi32>, vector<16xi32> -> vector<16xi32>
      %le3A_189 = arith.cmpi sle, %gather3A_188, %add3A_173 : vector<16xi32>
      %select_n3A_190 = arith.select %le3A_189, %add3A_185, %broadcast_in_dim3A_182 : vector<16xi1>, vector<16xi32>
      %add3A_191 = arith.constant 4 : i32
      %add3A_192 = vector.broadcast %add3A_191 : i32 to vector<16xi32>
      %add3A_193 = arith.addi %select_n3A_190, %add3A_192 : vector<16xi32>
      %broadcast_in_dim3A_194 = vector.shape_cast %add3A_193 : vector<16xi32> to vector<16x1xi32>
      %gather3A_195 = vector.shape_cast %broadcast_in_dim3A_194 : vector<16x1xi32> to vector<16xi32>
      %gather3A_196 = tpu.dynamic_gather %get3A_11[%gather3A_195] in [0] : vector<16xi32>, vector<16xi32> -> vector<16xi32>
      %le3A_197 = arith.cmpi sle, %gather3A_196, %add3A_173 : vector<16xi32>
      %select_n3A_198 = arith.select %le3A_197, %add3A_193, %select_n3A_190 : vector<16xi1>, vector<16xi32>
      %add3A_199 = arith.constant 2 : i32
      %add3A_200 = vector.broadcast %add3A_199 : i32 to vector<16xi32>
      %add3A_201 = arith.addi %select_n3A_198, %add3A_200 : vector<16xi32>
      %broadcast_in_dim3A_202 = vector.shape_cast %add3A_201 : vector<16xi32> to vector<16x1xi32>
      %gather3A_203 = vector.shape_cast %broadcast_in_dim3A_202 : vector<16x1xi32> to vector<16xi32>
      %gather3A_204 = tpu.dynamic_gather %get3A_11[%gather3A_203] in [0] : vector<16xi32>, vector<16xi32> -> vector<16xi32>
      %le3A_205 = arith.cmpi sle, %gather3A_204, %add3A_173 : vector<16xi32>
      %select_n3A_206 = arith.select %le3A_205, %add3A_201, %select_n3A_198 : vector<16xi1>, vector<16xi32>
      %add3A_207 = arith.constant 1 : i32
      %add3A_208 = vector.broadcast %add3A_207 : i32 to vector<16xi32>
      %add3A_209 = arith.addi %select_n3A_206, %add3A_208 : vector<16xi32>
      %broadcast_in_dim3A_210 = vector.shape_cast %add3A_209 : vector<16xi32> to vector<16x1xi32>
      %gather3A_211 = vector.shape_cast %broadcast_in_dim3A_210 : vector<16x1xi32> to vector<16xi32>
      %gather3A_212 = tpu.dynamic_gather %get3A_11[%gather3A_211] in [0] : vector<16xi32>, vector<16xi32> -> vector<16xi32>
      %le3A_213 = arith.cmpi sle, %gather3A_212, %add3A_173 : vector<16xi32>
      %select_n3A_214 = arith.select %le3A_213, %add3A_209, %select_n3A_206 : vector<16xi1>, vector<16xi32>
      %mul3A_215 = arith.constant 32 : i32
      %mul3A_216 = vector.broadcast %mul3A_215 : i32 to vector<16xi32>
      %mul3A_217 = arith.muli %select_n3A_214, %mul3A_216 : vector<16xi32>
      %add3A_218 = arith.addi %mul3A_14, %mul3A_217 : vector<16xi32>
      %add3A_219 = arith.addi %add3A_218, %get3A_180 : vector<16xi32>
      tpu.vector_store_idx %arg7[%add3A_219], %broadcast_in_dim3A_16 {add = true} : memref<8192xf32, #tpu.memory_space<vmem>>[vector<16xi32>], vector<16xf32>,
      %add3A_220 = arith.constant 16 : i32
      %add3A_221 = vector.broadcast %add3A_220 : i32 to vector<16xi32>
      %add3A_222 = arith.addi %add3A_173, %add3A_221 : vector<16xi32>
      %scan3A_223 = arith.constant 4 : i32
      %scan3A_224 = arith.addi %scan3A_31, %scan3A_223 : i32
      %mul3A_225 = arith.constant 16 : i32
      %mul3A_226 = arith.muli %scan3A_224, %mul3A_225 : i32
      %multiple_of3A_227 = tpu.assume_multiple %mul3A_226, 16 : i32
      %get3A_228 = arith.index_cast %multiple_of3A_227 : i32 to index
      %get3A_229 = tpu.vector_load %arg5[%get3A_228] {strides = array<i32>} : memref<1024xi32, #tpu.memory_space<vmem>>, vector<16xi32>,
      %broadcast_in_dim3A_230 = arith.constant 0 : i32
      %broadcast_in_dim3A_231 = vector.broadcast %broadcast_in_dim3A_230 : i32 to vector<16xi32>
      %add3A_232 = arith.constant 8 : i32
      %add3A_233 = vector.broadcast %add3A_232 : i32 to vector<16xi32>
      %add3A_234 = arith.addi %broadcast_in_dim3A_231, %add3A_233 : vector<16xi32>
      %broadcast_in_dim3A_235 = vector.shape_cast %add3A_234 : vector<16xi32> to vector<16x1xi32>
      %gather3A_236 = vector.shape_cast %broadcast_in_dim3A_235 : vector<16x1xi32> to vector<16xi32>
      %gather3A_237 = tpu.dynamic_gather %get3A_11[%gather3A_236] in [0] : vector<16xi32>, vector<16xi32> -> vector<16xi32>
      %le3A_238 = arith.cmpi sle, %gather3A_237, %add3A_222 : vector<16xi32>
      %select_n3A_239 = arith.select %le3A_238, %add3A_234, %broadcast_in_dim3A_231 : vector<16xi1>, vector<16xi32>
      %add3A_240 = arith.constant 4 : i32
      %add3A_241 = vector.broadcast %add3A_240 : i32 to vector<16xi32>
      %add3A_242 = arith.addi %select_n3A_239, %add3A_241 : vector<16xi32>
      %broadcast_in_dim3A_243 = vector.shape_cast %add3A_242 : vector<16xi32> to vector<16x1xi32>
      %gather3A_244 = vector.shape_cast %broadcast_in_dim3A_243 : vector<16x1xi32> to vector<16xi32>
      %gather3A_245 = tpu.dynamic_gather %get3A_11[%gather3A_244] in [0] : vector<16xi32>, vector<16xi32> -> vector<16xi32>
      %le3A_246 = arith.cmpi sle, %gather3A_245, %add3A_222 : vector<16xi32>
      %select_n3A_247 = arith.select %le3A_246, %add3A_242, %select_n3A_239 : vector<16xi1>, vector<16xi32>
      %add3A_248 = arith.constant 2 : i32
      %add3A_249 = vector.broadcast %add3A_248 : i32 to vector<16xi32>
      %add3A_250 = arith.addi %select_n3A_247, %add3A_249 : vector<16xi32>
      %broadcast_in_dim3A_251 = vector.shape_cast %add3A_250 : vector<16xi32> to vector<16x1xi32>
      %gather3A_252 = vector.shape_cast %broadcast_in_dim3A_251 : vector<16x1xi32> to vector<16xi32>
      %gather3A_253 = tpu.dynamic_gather %get3A_11[%gather3A_252] in [0] : vector<16xi32>, vector<16xi32> -> vector<16xi32>
      %le3A_254 = arith.cmpi sle, %gather3A_253, %add3A_222 : vector<16xi32>
      %select_n3A_255 = arith.select %le3A_254, %add3A_250, %select_n3A_247 : vector<16xi1>, vector<16xi32>
      %add3A_256 = arith.constant 1 : i32
      %add3A_257 = vector.broadcast %add3A_256 : i32 to vector<16xi32>
      %add3A_258 = arith.addi %select_n3A_255, %add3A_257 : vector<16xi32>
      %broadcast_in_dim3A_259 = vector.shape_cast %add3A_258 : vector<16xi32> to vector<16x1xi32>
      %gather3A_260 = vector.shape_cast %broadcast_in_dim3A_259 : vector<16x1xi32> to vector<16xi32>
      %gather3A_261 = tpu.dynamic_gather %get3A_11[%gather3A_260] in [0] : vector<16xi32>, vector<16xi32> -> vector<16xi32>
      %le3A_262 = arith.cmpi sle, %gather3A_261, %add3A_222 : vector<16xi32>
      %select_n3A_263 = arith.select %le3A_262, %add3A_258, %select_n3A_255 : vector<16xi1>, vector<16xi32>
      %mul3A_264 = arith.constant 32 : i32
      %mul3A_265 = vector.broadcast %mul3A_264 : i32 to vector<16xi32>
      %mul3A_266 = arith.muli %select_n3A_263, %mul3A_265 : vector<16xi32>
      %add3A_267 = arith.addi %mul3A_14, %mul3A_266 : vector<16xi32>
      %add3A_268 = arith.addi %add3A_267, %get3A_229 : vector<16xi32>
      tpu.vector_store_idx %arg7[%add3A_268], %broadcast_in_dim3A_16 {add = true} : memref<8192xf32, #tpu.memory_space<vmem>>[vector<16xi32>], vector<16xf32>,
      %add3A_269 = arith.constant 16 : i32
      %add3A_270 = vector.broadcast %add3A_269 : i32 to vector<16xi32>
      %add3A_271 = arith.addi %add3A_222, %add3A_270 : vector<16xi32>
      %scan3A_272 = arith.constant 5 : i32
      %scan3A_273 = arith.addi %scan3A_31, %scan3A_272 : i32
      %mul3A_274 = arith.constant 16 : i32
      %mul3A_275 = arith.muli %scan3A_273, %mul3A_274 : i32
      %multiple_of3A_276 = tpu.assume_multiple %mul3A_275, 16 : i32
      %get3A_277 = arith.index_cast %multiple_of3A_276 : i32 to index
      %get3A_278 = tpu.vector_load %arg5[%get3A_277] {strides = array<i32>} : memref<1024xi32, #tpu.memory_space<vmem>>, vector<16xi32>,
      %broadcast_in_dim3A_279 = arith.constant 0 : i32
      %broadcast_in_dim3A_280 = vector.broadcast %broadcast_in_dim3A_279 : i32 to vector<16xi32>
      %add3A_281 = arith.constant 8 : i32
      %add3A_282 = vector.broadcast %add3A_281 : i32 to vector<16xi32>
      %add3A_283 = arith.addi %broadcast_in_dim3A_280, %add3A_282 : vector<16xi32>
      %broadcast_in_dim3A_284 = vector.shape_cast %add3A_283 : vector<16xi32> to vector<16x1xi32>
      %gather3A_285 = vector.shape_cast %broadcast_in_dim3A_284 : vector<16x1xi32> to vector<16xi32>
      %gather3A_286 = tpu.dynamic_gather %get3A_11[%gather3A_285] in [0] : vector<16xi32>, vector<16xi32> -> vector<16xi32>
      %le3A_287 = arith.cmpi sle, %gather3A_286, %add3A_271 : vector<16xi32>
      %select_n3A_288 = arith.select %le3A_287, %add3A_283, %broadcast_in_dim3A_280 : vector<16xi1>, vector<16xi32>
      %add3A_289 = arith.constant 4 : i32
      %add3A_290 = vector.broadcast %add3A_289 : i32 to vector<16xi32>
      %add3A_291 = arith.addi %select_n3A_288, %add3A_290 : vector<16xi32>
      %broadcast_in_dim3A_292 = vector.shape_cast %add3A_291 : vector<16xi32> to vector<16x1xi32>
      %gather3A_293 = vector.shape_cast %broadcast_in_dim3A_292 : vector<16x1xi32> to vector<16xi32>
      %gather3A_294 = tpu.dynamic_gather %get3A_11[%gather3A_293] in [0] : vector<16xi32>, vector<16xi32> -> vector<16xi32>
      %le3A_295 = arith.cmpi sle, %gather3A_294, %add3A_271 : vector<16xi32>
      %select_n3A_296 = arith.select %le3A_295, %add3A_291, %select_n3A_288 : vector<16xi1>, vector<16xi32>
      %add3A_297 = arith.constant 2 : i32
      %add3A_298 = vector.broadcast %add3A_297 : i32 to vector<16xi32>
      %add3A_299 = arith.addi %select_n3A_296, %add3A_298 : vector<16xi32>
      %broadcast_in_dim3A_300 = vector.shape_cast %add3A_299 : vector<16xi32> to vector<16x1xi32>
      %gather3A_301 = vector.shape_cast %broadcast_in_dim3A_300 : vector<16x1xi32> to vector<16xi32>
      %gather3A_302 = tpu.dynamic_gather %get3A_11[%gather3A_301] in [0] : vector<16xi32>, vector<16xi32> -> vector<16xi32>
      %le3A_303 = arith.cmpi sle, %gather3A_302, %add3A_271 : vector<16xi32>
      %select_n3A_304 = arith.select %le3A_303, %add3A_299, %select_n3A_296 : vector<16xi1>, vector<16xi32>
      %add3A_305 = arith.constant 1 : i32
      %add3A_306 = vector.broadcast %add3A_305 : i32 to vector<16xi32>
      %add3A_307 = arith.addi %select_n3A_304, %add3A_306 : vector<16xi32>
      %broadcast_in_dim3A_308 = vector.shape_cast %add3A_307 : vector<16xi32> to vector<16x1xi32>
      %gather3A_309 = vector.shape_cast %broadcast_in_dim3A_308 : vector<16x1xi32> to vector<16xi32>
      %gather3A_310 = tpu.dynamic_gather %get3A_11[%gather3A_309] in [0] : vector<16xi32>, vector<16xi32> -> vector<16xi32>
      %le3A_311 = arith.cmpi sle, %gather3A_310, %add3A_271 : vector<16xi32>
      %select_n3A_312 = arith.select %le3A_311, %add3A_307, %select_n3A_304 : vector<16xi1>, vector<16xi32>
      %mul3A_313 = arith.constant 32 : i32
      %mul3A_314 = vector.broadcast %mul3A_313 : i32 to vector<16xi32>
      %mul3A_315 = arith.muli %select_n3A_312, %mul3A_314 : vector<16xi32>
      %add3A_316 = arith.addi %mul3A_14, %mul3A_315 : vector<16xi32>
      %add3A_317 = arith.addi %add3A_316, %get3A_278 : vector<16xi32>
      tpu.vector_store_idx %arg7[%add3A_317], %broadcast_in_dim3A_16 {add = true} : memref<8192xf32, #tpu.memory_space<vmem>>[vector<16xi32>], vector<16xf32>,
      %add3A_318 = arith.constant 16 : i32
      %add3A_319 = vector.broadcast %add3A_318 : i32 to vector<16xi32>
      %add3A_320 = arith.addi %add3A_271, %add3A_319 : vector<16xi32>
      %scan3A_321 = arith.constant 6 : i32
      %scan3A_322 = arith.addi %scan3A_31, %scan3A_321 : i32
      %mul3A_323 = arith.constant 16 : i32
      %mul3A_324 = arith.muli %scan3A_322, %mul3A_323 : i32
      %multiple_of3A_325 = tpu.assume_multiple %mul3A_324, 16 : i32
      %get3A_326 = arith.index_cast %multiple_of3A_325 : i32 to index
      %get3A_327 = tpu.vector_load %arg5[%get3A_326] {strides = array<i32>} : memref<1024xi32, #tpu.memory_space<vmem>>, vector<16xi32>,
      %broadcast_in_dim3A_328 = arith.constant 0 : i32
      %broadcast_in_dim3A_329 = vector.broadcast %broadcast_in_dim3A_328 : i32 to vector<16xi32>
      %add3A_330 = arith.constant 8 : i32
      %add3A_331 = vector.broadcast %add3A_330 : i32 to vector<16xi32>
      %add3A_332 = arith.addi %broadcast_in_dim3A_329, %add3A_331 : vector<16xi32>
      %broadcast_in_dim3A_333 = vector.shape_cast %add3A_332 : vector<16xi32> to vector<16x1xi32>
      %gather3A_334 = vector.shape_cast %broadcast_in_dim3A_333 : vector<16x1xi32> to vector<16xi32>
      %gather3A_335 = tpu.dynamic_gather %get3A_11[%gather3A_334] in [0] : vector<16xi32>, vector<16xi32> -> vector<16xi32>
      %le3A_336 = arith.cmpi sle, %gather3A_335, %add3A_320 : vector<16xi32>
      %select_n3A_337 = arith.select %le3A_336, %add3A_332, %broadcast_in_dim3A_329 : vector<16xi1>, vector<16xi32>
      %add3A_338 = arith.constant 4 : i32
      %add3A_339 = vector.broadcast %add3A_338 : i32 to vector<16xi32>
      %add3A_340 = arith.addi %select_n3A_337, %add3A_339 : vector<16xi32>
      %broadcast_in_dim3A_341 = vector.shape_cast %add3A_340 : vector<16xi32> to vector<16x1xi32>
      %gather3A_342 = vector.shape_cast %broadcast_in_dim3A_341 : vector<16x1xi32> to vector<16xi32>
      %gather3A_343 = tpu.dynamic_gather %get3A_11[%gather3A_342] in [0] : vector<16xi32>, vector<16xi32> -> vector<16xi32>
      %le3A_344 = arith.cmpi sle, %gather3A_343, %add3A_320 : vector<16xi32>
      %select_n3A_345 = arith.select %le3A_344, %add3A_340, %select_n3A_337 : vector<16xi1>, vector<16xi32>
      %add3A_346 = arith.constant 2 : i32
      %add3A_347 = vector.broadcast %add3A_346 : i32 to vector<16xi32>
      %add3A_348 = arith.addi %select_n3A_345, %add3A_347 : vector<16xi32>
      %broadcast_in_dim3A_349 = vector.shape_cast %add3A_348 : vector<16xi32> to vector<16x1xi32>
      %gather3A_350 = vector.shape_cast %broadcast_in_dim3A_349 : vector<16x1xi32> to vector<16xi32>
      %gather3A_351 = tpu.dynamic_gather %get3A_11[%gather3A_350] in [0] : vector<16xi32>, vector<16xi32> -> vector<16xi32>
      %le3A_352 = arith.cmpi sle, %gather3A_351, %add3A_320 : vector<16xi32>
      %select_n3A_353 = arith.select %le3A_352, %add3A_348, %select_n3A_345 : vector<16xi1>, vector<16xi32>
      %add3A_354 = arith.constant 1 : i32
      %add3A_355 = vector.broadcast %add3A_354 : i32 to vector<16xi32>
      %add3A_356 = arith.addi %select_n3A_353, %add3A_355 : vector<16xi32>
      %broadcast_in_dim3A_357 = vector.shape_cast %add3A_356 : vector<16xi32> to vector<16x1xi32>
      %gather3A_358 = vector.shape_cast %broadcast_in_dim3A_357 : vector<16x1xi32> to vector<16xi32>
      %gather3A_359 = tpu.dynamic_gather %get3A_11[%gather3A_358] in [0] : vector<16xi32>, vector<16xi32> -> vector<16xi32>
      %le3A_360 = arith.cmpi sle, %gather3A_359, %add3A_320 : vector<16xi32>
      %select_n3A_361 = arith.select %le3A_360, %add3A_356, %select_n3A_353 : vector<16xi1>, vector<16xi32>
      %mul3A_362 = arith.constant 32 : i32
      %mul3A_363 = vector.broadcast %mul3A_362 : i32 to vector<16xi32>
      %mul3A_364 = arith.muli %select_n3A_361, %mul3A_363 : vector<16xi32>
      %add3A_365 = arith.addi %mul3A_14, %mul3A_364 : vector<16xi32>
      %add3A_366 = arith.addi %add3A_365, %get3A_327 : vector<16xi32>
      tpu.vector_store_idx %arg7[%add3A_366], %broadcast_in_dim3A_16 {add = true} : memref<8192xf32, #tpu.memory_space<vmem>>[vector<16xi32>], vector<16xf32>,
      %add3A_367 = arith.constant 16 : i32
      %add3A_368 = vector.broadcast %add3A_367 : i32 to vector<16xi32>
      %add3A_369 = arith.addi %add3A_320, %add3A_368 : vector<16xi32>
      %scan3A_370 = arith.constant 7 : i32
      %scan3A_371 = arith.addi %scan3A_31, %scan3A_370 : i32
      %mul3A_372 = arith.constant 16 : i32
      %mul3A_373 = arith.muli %scan3A_371, %mul3A_372 : i32
      %multiple_of3A_374 = tpu.assume_multiple %mul3A_373, 16 : i32
      %get3A_375 = arith.index_cast %multiple_of3A_374 : i32 to index
      %get3A_376 = tpu.vector_load %arg5[%get3A_375] {strides = array<i32>} : memref<1024xi32, #tpu.memory_space<vmem>>, vector<16xi32>,
      %broadcast_in_dim3A_377 = arith.constant 0 : i32
      %broadcast_in_dim3A_378 = vector.broadcast %broadcast_in_dim3A_377 : i32 to vector<16xi32>
      %add3A_379 = arith.constant 8 : i32
      %add3A_380 = vector.broadcast %add3A_379 : i32 to vector<16xi32>
      %add3A_381 = arith.addi %broadcast_in_dim3A_378, %add3A_380 : vector<16xi32>
      %broadcast_in_dim3A_382 = vector.shape_cast %add3A_381 : vector<16xi32> to vector<16x1xi32>
      %gather3A_383 = vector.shape_cast %broadcast_in_dim3A_382 : vector<16x1xi32> to vector<16xi32>
      %gather3A_384 = tpu.dynamic_gather %get3A_11[%gather3A_383] in [0] : vector<16xi32>, vector<16xi32> -> vector<16xi32>
      %le3A_385 = arith.cmpi sle, %gather3A_384, %add3A_369 : vector<16xi32>
      %select_n3A_386 = arith.select %le3A_385, %add3A_381, %broadcast_in_dim3A_378 : vector<16xi1>, vector<16xi32>
      %add3A_387 = arith.constant 4 : i32
      %add3A_388 = vector.broadcast %add3A_387 : i32 to vector<16xi32>
      %add3A_389 = arith.addi %select_n3A_386, %add3A_388 : vector<16xi32>
      %broadcast_in_dim3A_390 = vector.shape_cast %add3A_389 : vector<16xi32> to vector<16x1xi32>
      %gather3A_391 = vector.shape_cast %broadcast_in_dim3A_390 : vector<16x1xi32> to vector<16xi32>
      %gather3A_392 = tpu.dynamic_gather %get3A_11[%gather3A_391] in [0] : vector<16xi32>, vector<16xi32> -> vector<16xi32>
      %le3A_393 = arith.cmpi sle, %gather3A_392, %add3A_369 : vector<16xi32>
      %select_n3A_394 = arith.select %le3A_393, %add3A_389, %select_n3A_386 : vector<16xi1>, vector<16xi32>
      %add3A_395 = arith.constant 2 : i32
      %add3A_396 = vector.broadcast %add3A_395 : i32 to vector<16xi32>
      %add3A_397 = arith.addi %select_n3A_394, %add3A_396 : vector<16xi32>
      %broadcast_in_dim3A_398 = vector.shape_cast %add3A_397 : vector<16xi32> to vector<16x1xi32>
      %gather3A_399 = vector.shape_cast %broadcast_in_dim3A_398 : vector<16x1xi32> to vector<16xi32>
      %gather3A_400 = tpu.dynamic_gather %get3A_11[%gather3A_399] in [0] : vector<16xi32>, vector<16xi32> -> vector<16xi32>
      %le3A_401 = arith.cmpi sle, %gather3A_400, %add3A_369 : vector<16xi32>
      %select_n3A_402 = arith.select %le3A_401, %add3A_397, %select_n3A_394 : vector<16xi1>, vector<16xi32>
      %add3A_403 = arith.constant 1 : i32
      %add3A_404 = vector.broadcast %add3A_403 : i32 to vector<16xi32>
      %add3A_405 = arith.addi %select_n3A_402, %add3A_404 : vector<16xi32>
      %broadcast_in_dim3A_406 = vector.shape_cast %add3A_405 : vector<16xi32> to vector<16x1xi32>
      %gather3A_407 = vector.shape_cast %broadcast_in_dim3A_406 : vector<16x1xi32> to vector<16xi32>
      %gather3A_408 = tpu.dynamic_gather %get3A_11[%gather3A_407] in [0] : vector<16xi32>, vector<16xi32> -> vector<16xi32>
      %le3A_409 = arith.cmpi sle, %gather3A_408, %add3A_369 : vector<16xi32>
      %select_n3A_410 = arith.select %le3A_409, %add3A_405, %select_n3A_402 : vector<16xi1>, vector<16xi32>
      %mul3A_411 = arith.constant 32 : i32
      %mul3A_412 = vector.broadcast %mul3A_411 : i32 to vector<16xi32>
      %mul3A_413 = arith.muli %select_n3A_410, %mul3A_412 : vector<16xi32>
      %add3A_414 = arith.addi %mul3A_14, %mul3A_413 : vector<16xi32>
      %add3A_415 = arith.addi %add3A_414, %get3A_376 : vector<16xi32>
      tpu.vector_store_idx %arg7[%add3A_415], %broadcast_in_dim3A_16 {add = true} : memref<8192xf32, #tpu.memory_space<vmem>>[vector<16xi32>], vector<16xf32>,
      %add3A_416 = arith.constant 16 : i32
      %add3A_417 = vector.broadcast %add3A_416 : i32 to vector<16xi32>
      %add3A_418 = arith.addi %add3A_369, %add3A_417 : vector<16xi32>
      scf.yield %add3A_418 : vector<16xi32>
    }
    %scan3A_24 = arith.constant 64 : i32
    %scan3A_25 = arith.constant 0 : i32
    %scan3A_26 = arith.constant 0 : i32
    %scan3A_27 = arith.constant 32 : i32
    %scan3A_28 = arith.addi %scan3A_26, %scan3A_27 : i32
    %scan3A_29 = arith.constant 4 : i32
    scf.for %scan3A_31 = %scan3A_26 to %scan3A_28 step %scan3A_29  : i32 {
      %mul3A_32 = arith.constant 16 : i32
      %mul3A_33 = arith.muli %scan3A_31, %mul3A_32 : i32
      %multiple_of3A = tpu.assume_multiple %mul3A_33, 16 : i32
      %get3A_34 = arith.index_cast %multiple_of3A : i32 to index
      %get3A_35 = tpu.vector_load %arg7[%get3A_34] {strides = array<i32>} : memref<8192xf32, #tpu.memory_space<vmem>>, vector<16xf32>,
      %add3A_36 = arith.constant 512 : i32
      %add3A_37 = arith.addi %add3A_36, %multiple_of3A : i32
      %get3A_38 = arith.index_cast %add3A_37 : i32 to index
      %get3A_39 = tpu.vector_load %arg7[%get3A_38] {strides = array<i32>} : memref<8192xf32, #tpu.memory_space<vmem>>, vector<16xf32>,
      %add3A_40 = arith.addf %get3A_35, %get3A_39 : vector<16xf32>
      %add3A_41 = arith.constant 1024 : i32
      %add3A_42 = arith.addi %add3A_41, %multiple_of3A : i32
      %get3A_43 = arith.index_cast %add3A_42 : i32 to index
      %get3A_44 = tpu.vector_load %arg7[%get3A_43] {strides = array<i32>} : memref<8192xf32, #tpu.memory_space<vmem>>, vector<16xf32>,
      %add3A_45 = arith.addf %add3A_40, %get3A_44 : vector<16xf32>
      %add3A_46 = arith.constant 1536 : i32
      %add3A_47 = arith.addi %add3A_46, %multiple_of3A : i32
      %get3A_48 = arith.index_cast %add3A_47 : i32 to index
      %get3A_49 = tpu.vector_load %arg7[%get3A_48] {strides = array<i32>} : memref<8192xf32, #tpu.memory_space<vmem>>, vector<16xf32>,
      %add3A_50 = arith.addf %add3A_45, %get3A_49 : vector<16xf32>
      %add3A_51 = arith.constant 2048 : i32
      %add3A_52 = arith.addi %add3A_51, %multiple_of3A : i32
      %get3A_53 = arith.index_cast %add3A_52 : i32 to index
      %get3A_54 = tpu.vector_load %arg7[%get3A_53] {strides = array<i32>} : memref<8192xf32, #tpu.memory_space<vmem>>, vector<16xf32>,
      %add3A_55 = arith.addf %add3A_50, %get3A_54 : vector<16xf32>
      %add3A_56 = arith.constant 2560 : i32
      %add3A_57 = arith.addi %add3A_56, %multiple_of3A : i32
      %get3A_58 = arith.index_cast %add3A_57 : i32 to index
      %get3A_59 = tpu.vector_load %arg7[%get3A_58] {strides = array<i32>} : memref<8192xf32, #tpu.memory_space<vmem>>, vector<16xf32>,
      %add3A_60 = arith.addf %add3A_55, %get3A_59 : vector<16xf32>
      %add3A_61 = arith.constant 3072 : i32
      %add3A_62 = arith.addi %add3A_61, %multiple_of3A : i32
      %get3A_63 = arith.index_cast %add3A_62 : i32 to index
      %get3A_64 = tpu.vector_load %arg7[%get3A_63] {strides = array<i32>} : memref<8192xf32, #tpu.memory_space<vmem>>, vector<16xf32>,
      %add3A_65 = arith.addf %add3A_60, %get3A_64 : vector<16xf32>
      %add3A_66 = arith.constant 3584 : i32
      %add3A_67 = arith.addi %add3A_66, %multiple_of3A : i32
      %get3A_68 = arith.index_cast %add3A_67 : i32 to index
      %get3A_69 = tpu.vector_load %arg7[%get3A_68] {strides = array<i32>} : memref<8192xf32, #tpu.memory_space<vmem>>, vector<16xf32>,
      %add3A_70 = arith.addf %add3A_65, %get3A_69 : vector<16xf32>
      %add3A_71 = arith.constant 4096 : i32
      %add3A_72 = arith.addi %add3A_71, %multiple_of3A : i32
      %get3A_73 = arith.index_cast %add3A_72 : i32 to index
      %get3A_74 = tpu.vector_load %arg7[%get3A_73] {strides = array<i32>} : memref<8192xf32, #tpu.memory_space<vmem>>, vector<16xf32>,
      %add3A_75 = arith.addf %add3A_70, %get3A_74 : vector<16xf32>
      %add3A_76 = arith.constant 4608 : i32
      %add3A_77 = arith.addi %add3A_76, %multiple_of3A : i32
      %get3A_78 = arith.index_cast %add3A_77 : i32 to index
      %get3A_79 = tpu.vector_load %arg7[%get3A_78] {strides = array<i32>} : memref<8192xf32, #tpu.memory_space<vmem>>, vector<16xf32>,
      %add3A_80 = arith.addf %add3A_75, %get3A_79 : vector<16xf32>
      %add3A_81 = arith.constant 5120 : i32
      %add3A_82 = arith.addi %add3A_81, %multiple_of3A : i32
      %get3A_83 = arith.index_cast %add3A_82 : i32 to index
      %get3A_84 = tpu.vector_load %arg7[%get3A_83] {strides = array<i32>} : memref<8192xf32, #tpu.memory_space<vmem>>, vector<16xf32>,
      %add3A_85 = arith.addf %add3A_80, %get3A_84 : vector<16xf32>
      %add3A_86 = arith.constant 5632 : i32
      %add3A_87 = arith.addi %add3A_86, %multiple_of3A : i32
      %get3A_88 = arith.index_cast %add3A_87 : i32 to index
      %get3A_89 = tpu.vector_load %arg7[%get3A_88] {strides = array<i32>} : memref<8192xf32, #tpu.memory_space<vmem>>, vector<16xf32>,
      %add3A_90 = arith.addf %add3A_85, %get3A_89 : vector<16xf32>
      %add3A_91 = arith.constant 6144 : i32
      %add3A_92 = arith.addi %add3A_91, %multiple_of3A : i32
      %get3A_93 = arith.index_cast %add3A_92 : i32 to index
      %get3A_94 = tpu.vector_load %arg7[%get3A_93] {strides = array<i32>} : memref<8192xf32, #tpu.memory_space<vmem>>, vector<16xf32>,
      %add3A_95 = arith.addf %add3A_90, %get3A_94 : vector<16xf32>
      %add3A_96 = arith.constant 6656 : i32
      %add3A_97 = arith.addi %add3A_96, %multiple_of3A : i32
      %get3A_98 = arith.index_cast %add3A_97 : i32 to index
      %get3A_99 = tpu.vector_load %arg7[%get3A_98] {strides = array<i32>} : memref<8192xf32, #tpu.memory_space<vmem>>, vector<16xf32>,
      %add3A_100 = arith.addf %add3A_95, %get3A_99 : vector<16xf32>
      %add3A_101 = arith.constant 7168 : i32
      %add3A_102 = arith.addi %add3A_101, %multiple_of3A : i32
      %get3A_103 = arith.index_cast %add3A_102 : i32 to index
      %get3A_104 = tpu.vector_load %arg7[%get3A_103] {strides = array<i32>} : memref<8192xf32, #tpu.memory_space<vmem>>, vector<16xf32>,
      %add3A_105 = arith.addf %add3A_100, %get3A_104 : vector<16xf32>
      %add3A_106 = arith.constant 7680 : i32
      %add3A_107 = arith.addi %add3A_106, %multiple_of3A : i32
      %get3A_108 = arith.index_cast %add3A_107 : i32 to index
      %get3A_109 = tpu.vector_load %arg7[%get3A_108] {strides = array<i32>} : memref<8192xf32, #tpu.memory_space<vmem>>, vector<16xf32>,
      %add3A_110 = arith.addf %add3A_105, %get3A_109 : vector<16xf32>
      %jit3A = arith.constant 2 : i32
      %div3A = arith.divsi %scan3A_31, %jit3A : i32
      %sign3A = arith.constant 0 : i32
      %sign3A_111 = arith.cmpi sgt, %scan3A_31, %sign3A : i32
      %sign3A_112 = arith.extui %sign3A_111 : i1 to i32
      %sign3A_113 = arith.constant 0 : i32
      %sign3A_114 = arith.cmpi slt, %scan3A_31, %sign3A_113 : i32
      %sign3A_115 = arith.extui %sign3A_114 : i1 to i32
      %sign3A_116 = arith.subi %sign3A_112, %sign3A_115 : i32
      %sign3A_117 = arith.constant 0 : i32
      %sign3A_118 = arith.cmpi sgt, %jit3A, %sign3A_117 : i32
      %sign3A_119 = arith.extui %sign3A_118 : i1 to i32
      %sign3A_120 = arith.constant 0 : i32
      %sign3A_121 = arith.cmpi slt, %jit3A, %sign3A_120 : i32
      %sign3A_122 = arith.extui %sign3A_121 : i1 to i32
      %sign3A_123 = arith.subi %sign3A_119, %sign3A_122 : i32
      %ne3A = arith.cmpi ne, %sign3A_116, %sign3A_123 : i32
      %rem3A = arith.remsi %scan3A_31, %jit3A : i32
      %ne3A_124 = arith.constant 0 : i32
      %ne3A_125 = arith.cmpi ne, %rem3A, %ne3A_124 : i32
      %and3A = arith.andi %ne3A, %ne3A_125 : i1
      %sub3A = arith.constant 1 : i32
      %sub3A_126 = arith.subi %div3A, %sub3A : i32
      %select_n3A = arith.select %and3A, %sub3A_126, %div3A : i32
      %jit3A_127 = arith.constant 2 : i32
      %eq3A = arith.constant 0 : i32
      %eq3A_128 = arith.cmpi eq, %jit3A_127, %eq3A : i32
      %jit3A_129 = arith.constant 1 : i32
      %select_n3A_130 = arith.select %eq3A_128, %jit3A_129, %jit3A_127 : i32
      %rem3A_131 = arith.remsi %scan3A_31, %select_n3A_130 : i32
      %ne3A_132 = arith.constant 0 : i32
      %ne3A_133 = arith.cmpi ne, %rem3A_131, %ne3A_132 : i32
      %lt3A = arith.constant 0 : i32
      %lt3A_134 = arith.cmpi slt, %rem3A_131, %lt3A : i32
      %lt3A_135 = arith.constant 0 : i32
      %lt3A_136 = arith.cmpi slt, %select_n3A_130, %lt3A_135 : i32
      %ne3A_137 = arith.xori %lt3A_134, %lt3A_136 : i1
      %and3A_138 = arith.andi %ne3A_137, %ne3A_133 : i1
      %add3A_139 = arith.addi %rem3A_131, %select_n3A_130 : i32
      %select_n3A_140 = arith.select %and3A_138, %add3A_139, %rem3A_131 : i32
      %mul3A_141 = arith.constant 16 : i32
      %mul3A_142 = arith.muli %select_n3A_140, %mul3A_141 : i32
      %multiple_of3A_143 = tpu.assume_multiple %mul3A_142, 16 : i32
      %swap3A = arith.index_cast %select_n3A : i32 to index
      %swap3A_144 = arith.index_cast %multiple_of3A_143 : i32 to index
      %swap3A_145 = tpu.vector_load %arg8[%swap3A, %swap3A_144] {strides = array<i32>} : memref<16x32xf32, #tpu.memory_space<vmem>>, vector<16xf32>,
      tpu.vector_store %arg8[%swap3A, %swap3A_144], %add3A_110 {strides = array<i32>} : memref<16x32xf32, #tpu.memory_space<vmem>>, vector<16xf32>,
      %scan3A_146 = arith.constant 1 : i32
      %scan3A_147 = arith.addi %scan3A_31, %scan3A_146 : i32
      %mul3A_148 = arith.constant 16 : i32
      %mul3A_149 = arith.muli %scan3A_147, %mul3A_148 : i32
      %multiple_of3A_150 = tpu.assume_multiple %mul3A_149, 16 : i32
      %get3A_151 = arith.index_cast %multiple_of3A_150 : i32 to index
      %get3A_152 = tpu.vector_load %arg7[%get3A_151] {strides = array<i32>} : memref<8192xf32, #tpu.memory_space<vmem>>, vector<16xf32>,
      %add3A_153 = arith.constant 512 : i32
      %add3A_154 = arith.addi %add3A_153, %multiple_of3A_150 : i32
      %get3A_155 = arith.index_cast %add3A_154 : i32 to index
      %get3A_156 = tpu.vector_load %arg7[%get3A_155] {strides = array<i32>} : memref<8192xf32, #tpu.memory_space<vmem>>, vector<16xf32>,
      %add3A_157 = arith.addf %get3A_152, %get3A_156 : vector<16xf32>
      %add3A_158 = arith.constant 1024 : i32
      %add3A_159 = arith.addi %add3A_158, %multiple_of3A_150 : i32
      %get3A_160 = arith.index_cast %add3A_159 : i32 to index
      %get3A_161 = tpu.vector_load %arg7[%get3A_160] {strides = array<i32>} : memref<8192xf32, #tpu.memory_space<vmem>>, vector<16xf32>,
      %add3A_162 = arith.addf %add3A_157, %get3A_161 : vector<16xf32>
      %add3A_163 = arith.constant 1536 : i32
      %add3A_164 = arith.addi %add3A_163, %multiple_of3A_150 : i32
      %get3A_165 = arith.index_cast %add3A_164 : i32 to index
      %get3A_166 = tpu.vector_load %arg7[%get3A_165] {strides = array<i32>} : memref<8192xf32, #tpu.memory_space<vmem>>, vector<16xf32>,
      %add3A_167 = arith.addf %add3A_162, %get3A_166 : vector<16xf32>
      %add3A_168 = arith.constant 2048 : i32
      %add3A_169 = arith.addi %add3A_168, %multiple_of3A_150 : i32
      %get3A_170 = arith.index_cast %add3A_169 : i32 to index
      %get3A_171 = tpu.vector_load %arg7[%get3A_170] {strides = array<i32>} : memref<8192xf32, #tpu.memory_space<vmem>>, vector<16xf32>,
      %add3A_172 = arith.addf %add3A_167, %get3A_171 : vector<16xf32>
      %add3A_173 = arith.constant 2560 : i32
      %add3A_174 = arith.addi %add3A_173, %multiple_of3A_150 : i32
      %get3A_175 = arith.index_cast %add3A_174 : i32 to index
      %get3A_176 = tpu.vector_load %arg7[%get3A_175] {strides = array<i32>} : memref<8192xf32, #tpu.memory_space<vmem>>, vector<16xf32>,
      %add3A_177 = arith.addf %add3A_172, %get3A_176 : vector<16xf32>
      %add3A_178 = arith.constant 3072 : i32
      %add3A_179 = arith.addi %add3A_178, %multiple_of3A_150 : i32
      %get3A_180 = arith.index_cast %add3A_179 : i32 to index
      %get3A_181 = tpu.vector_load %arg7[%get3A_180] {strides = array<i32>} : memref<8192xf32, #tpu.memory_space<vmem>>, vector<16xf32>,
      %add3A_182 = arith.addf %add3A_177, %get3A_181 : vector<16xf32>
      %add3A_183 = arith.constant 3584 : i32
      %add3A_184 = arith.addi %add3A_183, %multiple_of3A_150 : i32
      %get3A_185 = arith.index_cast %add3A_184 : i32 to index
      %get3A_186 = tpu.vector_load %arg7[%get3A_185] {strides = array<i32>} : memref<8192xf32, #tpu.memory_space<vmem>>, vector<16xf32>,
      %add3A_187 = arith.addf %add3A_182, %get3A_186 : vector<16xf32>
      %add3A_188 = arith.constant 4096 : i32
      %add3A_189 = arith.addi %add3A_188, %multiple_of3A_150 : i32
      %get3A_190 = arith.index_cast %add3A_189 : i32 to index
      %get3A_191 = tpu.vector_load %arg7[%get3A_190] {strides = array<i32>} : memref<8192xf32, #tpu.memory_space<vmem>>, vector<16xf32>,
      %add3A_192 = arith.addf %add3A_187, %get3A_191 : vector<16xf32>
      %add3A_193 = arith.constant 4608 : i32
      %add3A_194 = arith.addi %add3A_193, %multiple_of3A_150 : i32
      %get3A_195 = arith.index_cast %add3A_194 : i32 to index
      %get3A_196 = tpu.vector_load %arg7[%get3A_195] {strides = array<i32>} : memref<8192xf32, #tpu.memory_space<vmem>>, vector<16xf32>,
      %add3A_197 = arith.addf %add3A_192, %get3A_196 : vector<16xf32>
      %add3A_198 = arith.constant 5120 : i32
      %add3A_199 = arith.addi %add3A_198, %multiple_of3A_150 : i32
      %get3A_200 = arith.index_cast %add3A_199 : i32 to index
      %get3A_201 = tpu.vector_load %arg7[%get3A_200] {strides = array<i32>} : memref<8192xf32, #tpu.memory_space<vmem>>, vector<16xf32>,
      %add3A_202 = arith.addf %add3A_197, %get3A_201 : vector<16xf32>
      %add3A_203 = arith.constant 5632 : i32
      %add3A_204 = arith.addi %add3A_203, %multiple_of3A_150 : i32
      %get3A_205 = arith.index_cast %add3A_204 : i32 to index
      %get3A_206 = tpu.vector_load %arg7[%get3A_205] {strides = array<i32>} : memref<8192xf32, #tpu.memory_space<vmem>>, vector<16xf32>,
      %add3A_207 = arith.addf %add3A_202, %get3A_206 : vector<16xf32>
      %add3A_208 = arith.constant 6144 : i32
      %add3A_209 = arith.addi %add3A_208, %multiple_of3A_150 : i32
      %get3A_210 = arith.index_cast %add3A_209 : i32 to index
      %get3A_211 = tpu.vector_load %arg7[%get3A_210] {strides = array<i32>} : memref<8192xf32, #tpu.memory_space<vmem>>, vector<16xf32>,
      %add3A_212 = arith.addf %add3A_207, %get3A_211 : vector<16xf32>
      %add3A_213 = arith.constant 6656 : i32
      %add3A_214 = arith.addi %add3A_213, %multiple_of3A_150 : i32
      %get3A_215 = arith.index_cast %add3A_214 : i32 to index
      %get3A_216 = tpu.vector_load %arg7[%get3A_215] {strides = array<i32>} : memref<8192xf32, #tpu.memory_space<vmem>>, vector<16xf32>,
      %add3A_217 = arith.addf %add3A_212, %get3A_216 : vector<16xf32>
      %add3A_218 = arith.constant 7168 : i32
      %add3A_219 = arith.addi %add3A_218, %multiple_of3A_150 : i32
      %get3A_220 = arith.index_cast %add3A_219 : i32 to index
      %get3A_221 = tpu.vector_load %arg7[%get3A_220] {strides = array<i32>} : memref<8192xf32, #tpu.memory_space<vmem>>, vector<16xf32>,
      %add3A_222 = arith.addf %add3A_217, %get3A_221 : vector<16xf32>
      %add3A_223 = arith.constant 7680 : i32
      %add3A_224 = arith.addi %add3A_223, %multiple_of3A_150 : i32
      %get3A_225 = arith.index_cast %add3A_224 : i32 to index
      %get3A_226 = tpu.vector_load %arg7[%get3A_225] {strides = array<i32>} : memref<8192xf32, #tpu.memory_space<vmem>>, vector<16xf32>,
      %add3A_227 = arith.addf %add3A_222, %get3A_226 : vector<16xf32>
      %jit3A_228 = arith.constant 2 : i32
      %div3A_229 = arith.divsi %scan3A_147, %jit3A_228 : i32
      %sign3A_230 = arith.constant 0 : i32
      %sign3A_231 = arith.cmpi sgt, %scan3A_147, %sign3A_230 : i32
      %sign3A_232 = arith.extui %sign3A_231 : i1 to i32
      %sign3A_233 = arith.constant 0 : i32
      %sign3A_234 = arith.cmpi slt, %scan3A_147, %sign3A_233 : i32
      %sign3A_235 = arith.extui %sign3A_234 : i1 to i32
      %sign3A_236 = arith.subi %sign3A_232, %sign3A_235 : i32
      %sign3A_237 = arith.constant 0 : i32
      %sign3A_238 = arith.cmpi sgt, %jit3A_228, %sign3A_237 : i32
      %sign3A_239 = arith.extui %sign3A_238 : i1 to i32
      %sign3A_240 = arith.constant 0 : i32
      %sign3A_241 = arith.cmpi slt, %jit3A_228, %sign3A_240 : i32
      %sign3A_242 = arith.extui %sign3A_241 : i1 to i32
      %sign3A_243 = arith.subi %sign3A_239, %sign3A_242 : i32
      %ne3A_244 = arith.cmpi ne, %sign3A_236, %sign3A_243 : i32
      %rem3A_245 = arith.remsi %scan3A_147, %jit3A_228 : i32
      %ne3A_246 = arith.constant 0 : i32
      %ne3A_247 = arith.cmpi ne, %rem3A_245, %ne3A_246 : i32
      %and3A_248 = arith.andi %ne3A_244, %ne3A_247 : i1
      %sub3A_249 = arith.constant 1 : i32
      %sub3A_250 = arith.subi %div3A_229, %sub3A_249 : i32
      %select_n3A_251 = arith.select %and3A_248, %sub3A_250, %div3A_229 : i32
      %jit3A_252 = arith.constant 2 : i32
      %eq3A_253 = arith.constant 0 : i32
      %eq3A_254 = arith.cmpi eq, %jit3A_252, %eq3A_253 : i32
      %jit3A_255 = arith.constant 1 : i32
      %select_n3A_256 = arith.select %eq3A_254, %jit3A_255, %jit3A_252 : i32
      %rem3A_257 = arith.remsi %scan3A_147, %select_n3A_256 : i32
      %ne3A_258 = arith.constant 0 : i32
      %ne3A_259 = arith.cmpi ne, %rem3A_257, %ne3A_258 : i32
      %lt3A_260 = arith.constant 0 : i32
      %lt3A_261 = arith.cmpi slt, %rem3A_257, %lt3A_260 : i32
      %lt3A_262 = arith.constant 0 : i32
      %lt3A_263 = arith.cmpi slt, %select_n3A_256, %lt3A_262 : i32
      %ne3A_264 = arith.xori %lt3A_261, %lt3A_263 : i1
      %and3A_265 = arith.andi %ne3A_264, %ne3A_259 : i1
      %add3A_266 = arith.addi %rem3A_257, %select_n3A_256 : i32
      %select_n3A_267 = arith.select %and3A_265, %add3A_266, %rem3A_257 : i32
      %mul3A_268 = arith.constant 16 : i32
      %mul3A_269 = arith.muli %select_n3A_267, %mul3A_268 : i32
      %multiple_of3A_270 = tpu.assume_multiple %mul3A_269, 16 : i32
      %swap3A_271 = arith.index_cast %select_n3A_251 : i32 to index
      %swap3A_272 = arith.index_cast %multiple_of3A_270 : i32 to index
      %swap3A_273 = tpu.vector_load %arg8[%swap3A_271, %swap3A_272] {strides = array<i32>} : memref<16x32xf32, #tpu.memory_space<vmem>>, vector<16xf32>,
      tpu.vector_store %arg8[%swap3A_271, %swap3A_272], %add3A_227 {strides = array<i32>} : memref<16x32xf32, #tpu.memory_space<vmem>>, vector<16xf32>,
      %scan3A_274 = arith.constant 2 : i32
      %scan3A_275 = arith.addi %scan3A_31, %scan3A_274 : i32
      %mul3A_276 = arith.constant 16 : i32
      %mul3A_277 = arith.muli %scan3A_275, %mul3A_276 : i32
      %multiple_of3A_278 = tpu.assume_multiple %mul3A_277, 16 : i32
      %get3A_279 = arith.index_cast %multiple_of3A_278 : i32 to index
      %get3A_280 = tpu.vector_load %arg7[%get3A_279] {strides = array<i32>} : memref<8192xf32, #tpu.memory_space<vmem>>, vector<16xf32>,
      %add3A_281 = arith.constant 512 : i32
      %add3A_282 = arith.addi %add3A_281, %multiple_of3A_278 : i32
      %get3A_283 = arith.index_cast %add3A_282 : i32 to index
      %get3A_284 = tpu.vector_load %arg7[%get3A_283] {strides = array<i32>} : memref<8192xf32, #tpu.memory_space<vmem>>, vector<16xf32>,
      %add3A_285 = arith.addf %get3A_280, %get3A_284 : vector<16xf32>
      %add3A_286 = arith.constant 1024 : i32
      %add3A_287 = arith.addi %add3A_286, %multiple_of3A_278 : i32
      %get3A_288 = arith.index_cast %add3A_287 : i32 to index
      %get3A_289 = tpu.vector_load %arg7[%get3A_288] {strides = array<i32>} : memref<8192xf32, #tpu.memory_space<vmem>>, vector<16xf32>,
      %add3A_290 = arith.addf %add3A_285, %get3A_289 : vector<16xf32>
      %add3A_291 = arith.constant 1536 : i32
      %add3A_292 = arith.addi %add3A_291, %multiple_of3A_278 : i32
      %get3A_293 = arith.index_cast %add3A_292 : i32 to index
      %get3A_294 = tpu.vector_load %arg7[%get3A_293] {strides = array<i32>} : memref<8192xf32, #tpu.memory_space<vmem>>, vector<16xf32>,
      %add3A_295 = arith.addf %add3A_290, %get3A_294 : vector<16xf32>
      %add3A_296 = arith.constant 2048 : i32
      %add3A_297 = arith.addi %add3A_296, %multiple_of3A_278 : i32
      %get3A_298 = arith.index_cast %add3A_297 : i32 to index
      %get3A_299 = tpu.vector_load %arg7[%get3A_298] {strides = array<i32>} : memref<8192xf32, #tpu.memory_space<vmem>>, vector<16xf32>,
      %add3A_300 = arith.addf %add3A_295, %get3A_299 : vector<16xf32>
      %add3A_301 = arith.constant 2560 : i32
      %add3A_302 = arith.addi %add3A_301, %multiple_of3A_278 : i32
      %get3A_303 = arith.index_cast %add3A_302 : i32 to index
      %get3A_304 = tpu.vector_load %arg7[%get3A_303] {strides = array<i32>} : memref<8192xf32, #tpu.memory_space<vmem>>, vector<16xf32>,
      %add3A_305 = arith.addf %add3A_300, %get3A_304 : vector<16xf32>
      %add3A_306 = arith.constant 3072 : i32
      %add3A_307 = arith.addi %add3A_306, %multiple_of3A_278 : i32
      %get3A_308 = arith.index_cast %add3A_307 : i32 to index
      %get3A_309 = tpu.vector_load %arg7[%get3A_308] {strides = array<i32>} : memref<8192xf32, #tpu.memory_space<vmem>>, vector<16xf32>,
      %add3A_310 = arith.addf %add3A_305, %get3A_309 : vector<16xf32>
      %add3A_311 = arith.constant 3584 : i32
      %add3A_312 = arith.addi %add3A_311, %multiple_of3A_278 : i32
      %get3A_313 = arith.index_cast %add3A_312 : i32 to index
      %get3A_314 = tpu.vector_load %arg7[%get3A_313] {strides = array<i32>} : memref<8192xf32, #tpu.memory_space<vmem>>, vector<16xf32>,
      %add3A_315 = arith.addf %add3A_310, %get3A_314 : vector<16xf32>
      %add3A_316 = arith.constant 4096 : i32
      %add3A_317 = arith.addi %add3A_316, %multiple_of3A_278 : i32
      %get3A_318 = arith.index_cast %add3A_317 : i32 to index
      %get3A_319 = tpu.vector_load %arg7[%get3A_318] {strides = array<i32>} : memref<8192xf32, #tpu.memory_space<vmem>>, vector<16xf32>,
      %add3A_320 = arith.addf %add3A_315, %get3A_319 : vector<16xf32>
      %add3A_321 = arith.constant 4608 : i32
      %add3A_322 = arith.addi %add3A_321, %multiple_of3A_278 : i32
      %get3A_323 = arith.index_cast %add3A_322 : i32 to index
      %get3A_324 = tpu.vector_load %arg7[%get3A_323] {strides = array<i32>} : memref<8192xf32, #tpu.memory_space<vmem>>, vector<16xf32>,
      %add3A_325 = arith.addf %add3A_320, %get3A_324 : vector<16xf32>
      %add3A_326 = arith.constant 5120 : i32
      %add3A_327 = arith.addi %add3A_326, %multiple_of3A_278 : i32
      %get3A_328 = arith.index_cast %add3A_327 : i32 to index
      %get3A_329 = tpu.vector_load %arg7[%get3A_328] {strides = array<i32>} : memref<8192xf32, #tpu.memory_space<vmem>>, vector<16xf32>,
      %add3A_330 = arith.addf %add3A_325, %get3A_329 : vector<16xf32>
      %add3A_331 = arith.constant 5632 : i32
      %add3A_332 = arith.addi %add3A_331, %multiple_of3A_278 : i32
      %get3A_333 = arith.index_cast %add3A_332 : i32 to index
      %get3A_334 = tpu.vector_load %arg7[%get3A_333] {strides = array<i32>} : memref<8192xf32, #tpu.memory_space<vmem>>, vector<16xf32>,
      %add3A_335 = arith.addf %add3A_330, %get3A_334 : vector<16xf32>
      %add3A_336 = arith.constant 6144 : i32
      %add3A_337 = arith.addi %add3A_336, %multiple_of3A_278 : i32
      %get3A_338 = arith.index_cast %add3A_337 : i32 to index
      %get3A_339 = tpu.vector_load %arg7[%get3A_338] {strides = array<i32>} : memref<8192xf32, #tpu.memory_space<vmem>>, vector<16xf32>,
      %add3A_340 = arith.addf %add3A_335, %get3A_339 : vector<16xf32>
      %add3A_341 = arith.constant 6656 : i32
      %add3A_342 = arith.addi %add3A_341, %multiple_of3A_278 : i32
      %get3A_343 = arith.index_cast %add3A_342 : i32 to index
      %get3A_344 = tpu.vector_load %arg7[%get3A_343] {strides = array<i32>} : memref<8192xf32, #tpu.memory_space<vmem>>, vector<16xf32>,
      %add3A_345 = arith.addf %add3A_340, %get3A_344 : vector<16xf32>
      %add3A_346 = arith.constant 7168 : i32
      %add3A_347 = arith.addi %add3A_346, %multiple_of3A_278 : i32
      %get3A_348 = arith.index_cast %add3A_347 : i32 to index
      %get3A_349 = tpu.vector_load %arg7[%get3A_348] {strides = array<i32>} : memref<8192xf32, #tpu.memory_space<vmem>>, vector<16xf32>,
      %add3A_350 = arith.addf %add3A_345, %get3A_349 : vector<16xf32>
      %add3A_351 = arith.constant 7680 : i32
      %add3A_352 = arith.addi %add3A_351, %multiple_of3A_278 : i32
      %get3A_353 = arith.index_cast %add3A_352 : i32 to index
      %get3A_354 = tpu.vector_load %arg7[%get3A_353] {strides = array<i32>} : memref<8192xf32, #tpu.memory_space<vmem>>, vector<16xf32>,
      %add3A_355 = arith.addf %add3A_350, %get3A_354 : vector<16xf32>
      %jit3A_356 = arith.constant 2 : i32
      %div3A_357 = arith.divsi %scan3A_275, %jit3A_356 : i32
      %sign3A_358 = arith.constant 0 : i32
      %sign3A_359 = arith.cmpi sgt, %scan3A_275, %sign3A_358 : i32
      %sign3A_360 = arith.extui %sign3A_359 : i1 to i32
      %sign3A_361 = arith.constant 0 : i32
      %sign3A_362 = arith.cmpi slt, %scan3A_275, %sign3A_361 : i32
      %sign3A_363 = arith.extui %sign3A_362 : i1 to i32
      %sign3A_364 = arith.subi %sign3A_360, %sign3A_363 : i32
      %sign3A_365 = arith.constant 0 : i32
      %sign3A_366 = arith.cmpi sgt, %jit3A_356, %sign3A_365 : i32
      %sign3A_367 = arith.extui %sign3A_366 : i1 to i32
      %sign3A_368 = arith.constant 0 : i32
      %sign3A_369 = arith.cmpi slt, %jit3A_356, %sign3A_368 : i32
      %sign3A_370 = arith.extui %sign3A_369 : i1 to i32
      %sign3A_371 = arith.subi %sign3A_367, %sign3A_370 : i32
      %ne3A_372 = arith.cmpi ne, %sign3A_364, %sign3A_371 : i32
      %rem3A_373 = arith.remsi %scan3A_275, %jit3A_356 : i32
      %ne3A_374 = arith.constant 0 : i32
      %ne3A_375 = arith.cmpi ne, %rem3A_373, %ne3A_374 : i32
      %and3A_376 = arith.andi %ne3A_372, %ne3A_375 : i1
      %sub3A_377 = arith.constant 1 : i32
      %sub3A_378 = arith.subi %div3A_357, %sub3A_377 : i32
      %select_n3A_379 = arith.select %and3A_376, %sub3A_378, %div3A_357 : i32
      %jit3A_380 = arith.constant 2 : i32
      %eq3A_381 = arith.constant 0 : i32
      %eq3A_382 = arith.cmpi eq, %jit3A_380, %eq3A_381 : i32
      %jit3A_383 = arith.constant 1 : i32
      %select_n3A_384 = arith.select %eq3A_382, %jit3A_383, %jit3A_380 : i32
      %rem3A_385 = arith.remsi %scan3A_275, %select_n3A_384 : i32
      %ne3A_386 = arith.constant 0 : i32
      %ne3A_387 = arith.cmpi ne, %rem3A_385, %ne3A_386 : i32
      %lt3A_388 = arith.constant 0 : i32
      %lt3A_389 = arith.cmpi slt, %rem3A_385, %lt3A_388 : i32
      %lt3A_390 = arith.constant 0 : i32
      %lt3A_391 = arith.cmpi slt, %select_n3A_384, %lt3A_390 : i32
      %ne3A_392 = arith.xori %lt3A_389, %lt3A_391 : i1
      %and3A_393 = arith.andi %ne3A_392, %ne3A_387 : i1
      %add3A_394 = arith.addi %rem3A_385, %select_n3A_384 : i32
      %select_n3A_395 = arith.select %and3A_393, %add3A_394, %rem3A_385 : i32
      %mul3A_396 = arith.constant 16 : i32
      %mul3A_397 = arith.muli %select_n3A_395, %mul3A_396 : i32
      %multiple_of3A_398 = tpu.assume_multiple %mul3A_397, 16 : i32
      %swap3A_399 = arith.index_cast %select_n3A_379 : i32 to index
      %swap3A_400 = arith.index_cast %multiple_of3A_398 : i32 to index
      %swap3A_401 = tpu.vector_load %arg8[%swap3A_399, %swap3A_400] {strides = array<i32>} : memref<16x32xf32, #tpu.memory_space<vmem>>, vector<16xf32>,
      tpu.vector_store %arg8[%swap3A_399, %swap3A_400], %add3A_355 {strides = array<i32>} : memref<16x32xf32, #tpu.memory_space<vmem>>, vector<16xf32>,
      %scan3A_402 = arith.constant 3 : i32
      %scan3A_403 = arith.addi %scan3A_31, %scan3A_402 : i32
      %mul3A_404 = arith.constant 16 : i32
      %mul3A_405 = arith.muli %scan3A_403, %mul3A_404 : i32
      %multiple_of3A_406 = tpu.assume_multiple %mul3A_405, 16 : i32
      %get3A_407 = arith.index_cast %multiple_of3A_406 : i32 to index
      %get3A_408 = tpu.vector_load %arg7[%get3A_407] {strides = array<i32>} : memref<8192xf32, #tpu.memory_space<vmem>>, vector<16xf32>,
      %add3A_409 = arith.constant 512 : i32
      %add3A_410 = arith.addi %add3A_409, %multiple_of3A_406 : i32
      %get3A_411 = arith.index_cast %add3A_410 : i32 to index
      %get3A_412 = tpu.vector_load %arg7[%get3A_411] {strides = array<i32>} : memref<8192xf32, #tpu.memory_space<vmem>>, vector<16xf32>,
      %add3A_413 = arith.addf %get3A_408, %get3A_412 : vector<16xf32>
      %add3A_414 = arith.constant 1024 : i32
      %add3A_415 = arith.addi %add3A_414, %multiple_of3A_406 : i32
      %get3A_416 = arith.index_cast %add3A_415 : i32 to index
      %get3A_417 = tpu.vector_load %arg7[%get3A_416] {strides = array<i32>} : memref<8192xf32, #tpu.memory_space<vmem>>, vector<16xf32>,
      %add3A_418 = arith.addf %add3A_413, %get3A_417 : vector<16xf32>
      %add3A_419 = arith.constant 1536 : i32
      %add3A_420 = arith.addi %add3A_419, %multiple_of3A_406 : i32
      %get3A_421 = arith.index_cast %add3A_420 : i32 to index
      %get3A_422 = tpu.vector_load %arg7[%get3A_421] {strides = array<i32>} : memref<8192xf32, #tpu.memory_space<vmem>>, vector<16xf32>,
      %add3A_423 = arith.addf %add3A_418, %get3A_422 : vector<16xf32>
      %add3A_424 = arith.constant 2048 : i32
      %add3A_425 = arith.addi %add3A_424, %multiple_of3A_406 : i32
      %get3A_426 = arith.index_cast %add3A_425 : i32 to index
      %get3A_427 = tpu.vector_load %arg7[%get3A_426] {strides = array<i32>} : memref<8192xf32, #tpu.memory_space<vmem>>, vector<16xf32>,
      %add3A_428 = arith.addf %add3A_423, %get3A_427 : vector<16xf32>
      %add3A_429 = arith.constant 2560 : i32
      %add3A_430 = arith.addi %add3A_429, %multiple_of3A_406 : i32
      %get3A_431 = arith.index_cast %add3A_430 : i32 to index
      %get3A_432 = tpu.vector_load %arg7[%get3A_431] {strides = array<i32>} : memref<8192xf32, #tpu.memory_space<vmem>>, vector<16xf32>,
      %add3A_433 = arith.addf %add3A_428, %get3A_432 : vector<16xf32>
      %add3A_434 = arith.constant 3072 : i32
      %add3A_435 = arith.addi %add3A_434, %multiple_of3A_406 : i32
      %get3A_436 = arith.index_cast %add3A_435 : i32 to index
      %get3A_437 = tpu.vector_load %arg7[%get3A_436] {strides = array<i32>} : memref<8192xf32, #tpu.memory_space<vmem>>, vector<16xf32>,
      %add3A_438 = arith.addf %add3A_433, %get3A_437 : vector<16xf32>
      %add3A_439 = arith.constant 3584 : i32
      %add3A_440 = arith.addi %add3A_439, %multiple_of3A_406 : i32
      %get3A_441 = arith.index_cast %add3A_440 : i32 to index
      %get3A_442 = tpu.vector_load %arg7[%get3A_441] {strides = array<i32>} : memref<8192xf32, #tpu.memory_space<vmem>>, vector<16xf32>,
      %add3A_443 = arith.addf %add3A_438, %get3A_442 : vector<16xf32>
      %add3A_444 = arith.constant 4096 : i32
      %add3A_445 = arith.addi %add3A_444, %multiple_of3A_406 : i32
      %get3A_446 = arith.index_cast %add3A_445 : i32 to index
      %get3A_447 = tpu.vector_load %arg7[%get3A_446] {strides = array<i32>} : memref<8192xf32, #tpu.memory_space<vmem>>, vector<16xf32>,
      %add3A_448 = arith.addf %add3A_443, %get3A_447 : vector<16xf32>
      %add3A_449 = arith.constant 4608 : i32
      %add3A_450 = arith.addi %add3A_449, %multiple_of3A_406 : i32
      %get3A_451 = arith.index_cast %add3A_450 : i32 to index
      %get3A_452 = tpu.vector_load %arg7[%get3A_451] {strides = array<i32>} : memref<8192xf32, #tpu.memory_space<vmem>>, vector<16xf32>,
      %add3A_453 = arith.addf %add3A_448, %get3A_452 : vector<16xf32>
      %add3A_454 = arith.constant 5120 : i32
      %add3A_455 = arith.addi %add3A_454, %multiple_of3A_406 : i32
      %get3A_456 = arith.index_cast %add3A_455 : i32 to index
      %get3A_457 = tpu.vector_load %arg7[%get3A_456] {strides = array<i32>} : memref<8192xf32, #tpu.memory_space<vmem>>, vector<16xf32>,
      %add3A_458 = arith.addf %add3A_453, %get3A_457 : vector<16xf32>
      %add3A_459 = arith.constant 5632 : i32
      %add3A_460 = arith.addi %add3A_459, %multiple_of3A_406 : i32
      %get3A_461 = arith.index_cast %add3A_460 : i32 to index
      %get3A_462 = tpu.vector_load %arg7[%get3A_461] {strides = array<i32>} : memref<8192xf32, #tpu.memory_space<vmem>>, vector<16xf32>,
      %add3A_463 = arith.addf %add3A_458, %get3A_462 : vector<16xf32>
      %add3A_464 = arith.constant 6144 : i32
      %add3A_465 = arith.addi %add3A_464, %multiple_of3A_406 : i32
      %get3A_466 = arith.index_cast %add3A_465 : i32 to index
      %get3A_467 = tpu.vector_load %arg7[%get3A_466] {strides = array<i32>} : memref<8192xf32, #tpu.memory_space<vmem>>, vector<16xf32>,
      %add3A_468 = arith.addf %add3A_463, %get3A_467 : vector<16xf32>
      %add3A_469 = arith.constant 6656 : i32
      %add3A_470 = arith.addi %add3A_469, %multiple_of3A_406 : i32
      %get3A_471 = arith.index_cast %add3A_470 : i32 to index
      %get3A_472 = tpu.vector_load %arg7[%get3A_471] {strides = array<i32>} : memref<8192xf32, #tpu.memory_space<vmem>>, vector<16xf32>,
      %add3A_473 = arith.addf %add3A_468, %get3A_472 : vector<16xf32>
      %add3A_474 = arith.constant 7168 : i32
      %add3A_475 = arith.addi %add3A_474, %multiple_of3A_406 : i32
      %get3A_476 = arith.index_cast %add3A_475 : i32 to index
      %get3A_477 = tpu.vector_load %arg7[%get3A_476] {strides = array<i32>} : memref<8192xf32, #tpu.memory_space<vmem>>, vector<16xf32>,
      %add3A_478 = arith.addf %add3A_473, %get3A_477 : vector<16xf32>
      %add3A_479 = arith.constant 7680 : i32
      %add3A_480 = arith.addi %add3A_479, %multiple_of3A_406 : i32
      %get3A_481 = arith.index_cast %add3A_480 : i32 to index
      %get3A_482 = tpu.vector_load %arg7[%get3A_481] {strides = array<i32>} : memref<8192xf32, #tpu.memory_space<vmem>>, vector<16xf32>,
      %add3A_483 = arith.addf %add3A_478, %get3A_482 : vector<16xf32>
      %jit3A_484 = arith.constant 2 : i32
      %div3A_485 = arith.divsi %scan3A_403, %jit3A_484 : i32
      %sign3A_486 = arith.constant 0 : i32
      %sign3A_487 = arith.cmpi sgt, %scan3A_403, %sign3A_486 : i32
      %sign3A_488 = arith.extui %sign3A_487 : i1 to i32
      %sign3A_489 = arith.constant 0 : i32
      %sign3A_490 = arith.cmpi slt, %scan3A_403, %sign3A_489 : i32
      %sign3A_491 = arith.extui %sign3A_490 : i1 to i32
      %sign3A_492 = arith.subi %sign3A_488, %sign3A_491 : i32
      %sign3A_493 = arith.constant 0 : i32
      %sign3A_494 = arith.cmpi sgt, %jit3A_484, %sign3A_493 : i32
      %sign3A_495 = arith.extui %sign3A_494 : i1 to i32
      %sign3A_496 = arith.constant 0 : i32
      %sign3A_497 = arith.cmpi slt, %jit3A_484, %sign3A_496 : i32
      %sign3A_498 = arith.extui %sign3A_497 : i1 to i32
      %sign3A_499 = arith.subi %sign3A_495, %sign3A_498 : i32
      %ne3A_500 = arith.cmpi ne, %sign3A_492, %sign3A_499 : i32
      %rem3A_501 = arith.remsi %scan3A_403, %jit3A_484 : i32
      %ne3A_502 = arith.constant 0 : i32
      %ne3A_503 = arith.cmpi ne, %rem3A_501, %ne3A_502 : i32
      %and3A_504 = arith.andi %ne3A_500, %ne3A_503 : i1
      %sub3A_505 = arith.constant 1 : i32
      %sub3A_506 = arith.subi %div3A_485, %sub3A_505 : i32
      %select_n3A_507 = arith.select %and3A_504, %sub3A_506, %div3A_485 : i32
      %jit3A_508 = arith.constant 2 : i32
      %eq3A_509 = arith.constant 0 : i32
      %eq3A_510 = arith.cmpi eq, %jit3A_508, %eq3A_509 : i32
      %jit3A_511 = arith.constant 1 : i32
      %select_n3A_512 = arith.select %eq3A_510, %jit3A_511, %jit3A_508 : i32
      %rem3A_513 = arith.remsi %scan3A_403, %select_n3A_512 : i32
      %ne3A_514 = arith.constant 0 : i32
      %ne3A_515 = arith.cmpi ne, %rem3A_513, %ne3A_514 : i32
      %lt3A_516 = arith.constant 0 : i32
      %lt3A_517 = arith.cmpi slt, %rem3A_513, %lt3A_516 : i32
      %lt3A_518 = arith.constant 0 : i32
      %lt3A_519 = arith.cmpi slt, %select_n3A_512, %lt3A_518 : i32
      %ne3A_520 = arith.xori %lt3A_517, %lt3A_519 : i1
      %and3A_521 = arith.andi %ne3A_520, %ne3A_515 : i1
      %add3A_522 = arith.addi %rem3A_513, %select_n3A_512 : i32
      %select_n3A_523 = arith.select %and3A_521, %add3A_522, %rem3A_513 : i32
      %mul3A_524 = arith.constant 16 : i32
      %mul3A_525 = arith.muli %select_n3A_523, %mul3A_524 : i32
      %multiple_of3A_526 = tpu.assume_multiple %mul3A_525, 16 : i32
      %swap3A_527 = arith.index_cast %select_n3A_507 : i32 to index
      %swap3A_528 = arith.index_cast %multiple_of3A_526 : i32 to index
      %swap3A_529 = tpu.vector_load %arg8[%swap3A_527, %swap3A_528] {strides = array<i32>} : memref<16x32xf32, #tpu.memory_space<vmem>>, vector<16xf32>,
      tpu.vector_store %arg8[%swap3A_527, %swap3A_528], %add3A_483 {strides = array<i32>} : memref<16x32xf32, #tpu.memory_space<vmem>>, vector<16xf32>,
    }
    %scan3A_30 = arith.constant 32 : i32
    "tpu.region"() ({
      %run_scoped3A = tpu.sem_alloc : memref<!tpu.dma_semaphore, #tpu.memory_space<semaphore_mem>>
      %dma_start3A_31 = arith.constant 0 : i32
      %dma_start3A_32 = arith.constant 0 : i32
      %dma_start3A_33 = tpu.memref_slice %arg4[%add3A, %dma_start3A_31, %dma_start3A_32] : memref<32x16x32xf32, #tpu.memory_space<hbm>> -> memref<1x16x32xf32, #tpu.memory_space<hbm>>
      %dma_start3A_34 = tpu.memref_squeeze %dma_start3A_33 : memref<1x16x32xf32, #tpu.memory_space<hbm>> -> memref<16x32xf32, #tpu.memory_space<hbm>>
      %dma_start3A_35 = arith.constant 0 : i32
      %dma_start3A_36 = arith.constant 0 : i32
      %dma_start3A_37 = tpu.memref_slice %arg4[%add3A, %dma_start3A_35, %dma_start3A_36] : memref<32x16x32xf32, #tpu.memory_space<hbm>> -> memref<1x16x32xf32, #tpu.memory_space<hbm>>
      %dma_start3A_38 = tpu.memref_squeeze %dma_start3A_37 : memref<1x16x32xf32, #tpu.memory_space<hbm>> -> memref<16x32xf32, #tpu.memory_space<hbm>>
      tpu.enqueue_dma source(%arg8 : memref<16x32xf32, #tpu.memory_space<vmem>>) target(%dma_start3A_38 : memref<16x32xf32, #tpu.memory_space<hbm>>) target_semaphore(%run_scoped3A : memref<!tpu.dma_semaphore, #tpu.memory_space<semaphore_mem>>)
      %dma_wait3A_39 = arith.constant 0 : i32
      %dma_wait3A_40 = arith.constant 0 : i32
      %dma_wait3A_41 = tpu.memref_slice %arg4[%add3A, %dma_wait3A_39, %dma_wait3A_40] : memref<32x16x32xf32, #tpu.memory_space<hbm>> -> memref<1x16x32xf32, #tpu.memory_space<hbm>>
      %dma_wait3A_42 = tpu.memref_squeeze %dma_wait3A_41 : memref<1x16x32xf32, #tpu.memory_space<hbm>> -> memref<16x32xf32, #tpu.memory_space<hbm>>
      %dma_wait3A_43 = arith.constant 0 : i32
      %dma_wait3A_44 = arith.constant 0 : i32
      %dma_wait3A_45 = tpu.memref_slice %arg4[%add3A, %dma_wait3A_43, %dma_wait3A_44] : memref<32x16x32xf32, #tpu.memory_space<hbm>> -> memref<1x16x32xf32, #tpu.memory_space<hbm>>
      %dma_wait3A_46 = tpu.memref_squeeze %dma_wait3A_45 : memref<1x16x32xf32, #tpu.memory_space<hbm>> -> memref<16x32xf32, #tpu.memory_space<hbm>>
      tpu.wait_dma2 semaphore(%run_scoped3A : memref<!tpu.dma_semaphore, #tpu.memory_space<semaphore_mem>>) src(%arg8 : memref<16x32xf32, #tpu.memory_space<vmem>>) dst(%dma_wait3A_46 : memref<16x32xf32, #tpu.memory_space<hbm>>)
      tpu.yield
    }) : () -> ()
    return
  }
}

module attributes {stable_mosaic.version = 14 : i64} {
  func.func @_combine_body(%arg0: memref<32x16x32xf32, #tpu.memory_space<vmem>>, %arg1: memref<17x512xf32, #tpu.memory_space<vmem>>, %arg2: memref<16x512xf32, #tpu.memory_space<vmem>>) attributes {dimension_semantics = [], scalar_prefetch = 0 : i64, scratch_operands = 0 : i64, tpu.core_type = #tpu.core_type<tc>} {
    %get3A = arith.constant 0 : index
    %get3A_0 = arith.constant 0 : index
    %get3A_1 = arith.constant 0 : index
    %get3A_2 = vector.load %arg0[%get3A, %get3A_0, %get3A_1] : memref<32x16x32xf32, #tpu.memory_space<vmem>>, vector<32x16x32xf32>
    %reduce_sum3A = arith.constant dense<0.000000e+00> : vector<16x32xf32>
    %reduce_sum3A_3 = vector.multi_reduction <add>, %get3A_2, %reduce_sum3A [0] : vector<32x16x32xf32> to vector<16x32xf32>
    %reduce_sum3A_4 = arith.constant dense<0.000000e+00> : vector<16xf32>
    %reduce_sum3A_5 = vector.multi_reduction <add>, %reduce_sum3A_3, %reduce_sum3A_4 [1] : vector<16x32xf32> to vector<16xf32>
    %broadcast_in_dim3A = vector.shape_cast %reduce_sum3A_5 : vector<16xf32> to vector<16x1xf32>
    %slice3A = vector.extract_strided_slice %reduce_sum3A_3 {offsets = [0, 0], sizes = [16, 17], strides = [1, 1]} : vector<16x32xf32> to vector<16x17xf32>
    %div3A = vector.broadcast %broadcast_in_dim3A : vector<16x1xf32> to vector<16x17xf32>
    %div3A_6 = arith.divf %slice3A, %div3A : vector<16x17xf32>
    %get3A_7 = arith.constant 0 : index
    %get3A_8 = arith.constant 0 : index
    %get3A_9 = vector.load %arg1[%get3A_7, %get3A_8] : memref<17x512xf32, #tpu.memory_space<vmem>>, vector<17x512xf32>
    %dot_general3A = arith.constant dense<0.000000e+00> : vector<16x512xf32>
    %dot_general3A_10 = tpu.matmul %div3A_6, %get3A_9, %dot_general3A {dimension_numbers = #tpu.dot_dimension_numbers<[1], [0], [0], [1], [0, 0, 1, 1], [], []>, transpose_lhs_hint = false} : vector<16x17xf32>, vector<17x512xf32>, vector<16x512xf32> -> vector<16x512xf32>
    %swap3A = arith.constant 0 : index
    %swap3A_11 = arith.constant 0 : index
    %swap3A_12 = vector.load %arg2[%swap3A, %swap3A_11] : memref<16x512xf32, #tpu.memory_space<vmem>>, vector<16x512xf32>
    tpu.vector_store %arg2[%swap3A, %swap3A_11], %dot_general3A_10 {strides = array<i32>} : memref<16x512xf32, #tpu.memory_space<vmem>>, vector<16x512xf32>,
    return
  }
}

module attributes {stable_mosaic.version = 14 : i64} {
  func.func @_mlp_body(%arg0: memref<17x512xf32, #tpu.memory_space<vmem>>, %arg1: memref<512x512xf32, #tpu.memory_space<vmem>>, %arg2: memref<512xf32, #tpu.memory_space<vmem>>, %arg3: memref<512x512xf32, #tpu.memory_space<vmem>>, %arg4: memref<512xf32, #tpu.memory_space<vmem>>, %arg5: memref<17x512xf32, #tpu.memory_space<vmem>>) attributes {dimension_semantics = [], scalar_prefetch = 0 : i64, scratch_operands = 0 : i64, tpu.core_type = #tpu.core_type<tc>} {
    %get3A = arith.constant 0 : index
    %get3A_0 = arith.constant 0 : index
    %get3A_1 = vector.load %arg0[%get3A, %get3A_0] : memref<17x512xf32, #tpu.memory_space<vmem>>, vector<17x512xf32>
    %get3A_2 = arith.constant 0 : index
    %get3A_3 = arith.constant 0 : index
    %get3A_4 = vector.load %arg1[%get3A_2, %get3A_3] : memref<512x512xf32, #tpu.memory_space<vmem>>, vector<512x512xf32>
    %dot_general3A = arith.constant dense<0.000000e+00> : vector<17x512xf32>
    %dot_general3A_5 = tpu.matmul %get3A_1, %get3A_4, %dot_general3A {dimension_numbers = #tpu.dot_dimension_numbers<[1], [1], [0], [0], [0, 0, 1, 0], [], []>, transpose_lhs_hint = false} : vector<17x512xf32>, vector<512x512xf32>, vector<17x512xf32> -> vector<17x512xf32>
    %get3A_6 = arith.constant 0 : index
    %get3A_7 = vector.load %arg2[%get3A_6] : memref<512xf32, #tpu.memory_space<vmem>>, vector<512xf32>
    %broadcast_in_dim3A = vector.shape_cast %get3A_7 : vector<512xf32> to vector<1x512xf32>
    %add3A = vector.broadcast %broadcast_in_dim3A : vector<1x512xf32> to vector<17x512xf32>
    %add3A_8 = arith.addf %dot_general3A_5, %add3A : vector<17x512xf32>
    %mul3A = arith.constant 5.000000e-01 : f32
    %mul3A_9 = vector.broadcast %mul3A : f32 to vector<17x512xf32>
    %mul3A_10 = arith.mulf %mul3A_9, %add3A_8 : vector<17x512xf32>
    %mul3A_11 = arith.constant 0.707106769 : f32
    %mul3A_12 = vector.broadcast %mul3A_11 : f32 to vector<17x512xf32>
    %mul3A_13 = arith.mulf %add3A_8, %mul3A_12 : vector<17x512xf32>
    %erf3A = math.erf %mul3A_13 : vector<17x512xf32>
    %add3A_14 = arith.constant 1.000000e+00 : f32
    %add3A_15 = vector.broadcast %add3A_14 : f32 to vector<17x512xf32>
    %add3A_16 = arith.addf %add3A_15, %erf3A : vector<17x512xf32>
    %mul3A_17 = arith.mulf %mul3A_10, %add3A_16 : vector<17x512xf32>
    %get3A_18 = arith.constant 0 : index
    %get3A_19 = arith.constant 0 : index
    %get3A_20 = vector.load %arg3[%get3A_18, %get3A_19] : memref<512x512xf32, #tpu.memory_space<vmem>>, vector<512x512xf32>
    %dot_general3A_21 = arith.constant dense<0.000000e+00> : vector<17x512xf32>
    %dot_general3A_22 = tpu.matmul %mul3A_17, %get3A_20, %dot_general3A_21 {dimension_numbers = #tpu.dot_dimension_numbers<[1], [1], [0], [0], [0, 0, 1, 0], [], []>, transpose_lhs_hint = false} : vector<17x512xf32>, vector<512x512xf32>, vector<17x512xf32> -> vector<17x512xf32>
    %get3A_23 = arith.constant 0 : index
    %get3A_24 = vector.load %arg4[%get3A_23] : memref<512xf32, #tpu.memory_space<vmem>>, vector<512xf32>
    %broadcast_in_dim3A_25 = vector.shape_cast %get3A_24 : vector<512xf32> to vector<1x512xf32>
    %add3A_26 = vector.broadcast %broadcast_in_dim3A_25 : vector<1x512xf32> to vector<17x512xf32>
    %add3A_27 = arith.addf %dot_general3A_22, %add3A_26 : vector<17x512xf32>
    %swap3A = arith.constant 0 : index
    %swap3A_28 = arith.constant 0 : index
    %swap3A_29 = vector.load %arg5[%swap3A, %swap3A_28] : memref<17x512xf32, #tpu.memory_space<vmem>>, vector<17x512xf32>
    tpu.vector_store %arg5[%swap3A, %swap3A_28], %add3A_27 {strides = array<i32>} : memref<17x512xf32, #tpu.memory_space<vmem>>, vector<17x512xf32>,
    return
  }
}

</mosaic_0001>

<sc_bundles>
// kernel: kernel.5.cloned.1.call-start
scs
__scs_entry_jumppad:
0x0: {  	(pc) =	sbr.rel $0x88, $3  }
0x1: {  	(tag) =	ssettag $0x0;
	lr =	simm.s32 $0x1  }
0x2: {  	[smem:$0x3F9A] =	sst lr;
	_ =	strace $0xD0000000  }
0x3: {  	_ = 	snop  }
0x4: {  	_ = 	snop  }
0x5: {  	_ = 	snop  }
0x6: {  	_ = 	snop  }
0x7: {  	_ = 	snop  }
__scs_overlays_trampoline_lowered:
0x8: {  	[smem:$0x3FA9] =	sst s0  }
0x9: {  	[smem:$0x3FAA] =	sst s1  }
0xa: {  	[smem:$0x3FAB] =	sst s2  }
0xb: {  	[smem:$0x3FAC] =	sst s3  }
0xc: {  	[smem:$0x3FAD] =	sst s4  }
0xd: {  	[smem:$0x3FAE] =	sst s5  }
0xe: {  	[smem:$0x3FAF] =	sst s6  }
0xf: {  	[smem:$0x3FB0] =	sst s7  }
0x10: {  	[smem:$0x3FB1] =	sst s8  }
0x11: {  	[smem:$0x3FB2] =	sst s9;
	s0 =	simm.s32 @!p0 $0x0  }
0x12: {  	s1 =	sld [smem:$0x3F98];
	s0 =	simm.s32 @p0 $0x1  }
0x13: {  	[smem:$0x3FB3] =	sst s0;
	s0 =	simm.s32 @!p1 $0x0  }
0x14: {  	s2 =	sld [smem:$0x3F97];
	s0 =	simm.s32 @p1 $0x1  }
0x15: {  	[smem:$0x3FB4] =	sst s0;
	s0 =	simm.s32 @!p2 $0x0  }
0x16: {  	s3 =	sld [smem:$0x3FDB];
	s0 =	simm.s32 @p2 $0x1  }
0x17: {  	s4 =	simm.s32 $0x1BF5;
	[smem:$0x3FB6] =	sst s0  }
0x18: {  	s0 =	sld [smem:$0x3F99];
	_ =	swait.ge [sflag:s4], $0x0  }
0x19: {  	s7 =	sld [smem:$0x3F9A]  }
0x1a: {  	s8 =	sadd.s32 $0xFFFFE003, lr  }
0x1b: {  	s9 =	sadd.s32 $0xFFFFFEF7, lr;
	s5 =	simm.s32 $0xFFFFFFFF;
	p2 =	slt.u32 s8, $0xFFFFF086  }
0x1c: {  	p1 =	slt.u32 s9, $0xF7A;
	s5 =	simm.s32 @!p2 $0x0  }
0x1d: {  	s5 =	simm.s32 @p1 $0x1;
	p0 =	seq.s32 s7, s2  }
0x1e: {  	s7 =	smul.u32 @!p0 $0xF7A, s2;
	p2 =	seq.s32 @!p0 s5, $0x0  }
0x1f: {  	s9 =	smul.u32 $0xF7A, s1;
	s8 =	simm.s32 @!p0 $0x1BF5;
	p2 =	por !p2, p0  }
0x20: {  	[sflag:s8] =	ssyncset.s32 @!p0 $0xFFFFF086;
	s6 =	sadd.s32 @!p0 s3, s7;
	s7 =	simm.s32 @!p0 $0x108  }
0x21: {  	s3 =	sadd.s32 s3, s9;
	s6 =	sadd.s32 @!p0 $0x88, s6;
	s7 =	simm.s32 @p2 $0x1082  }
0x22: {  	[simem:s7], [sflag:s8] =	dma.local @!p0 [hbm:s6], $0xF7A  }
0x23: {  	s9 =	sor.u32 $0xD0000000, s2;
	s6 =	simm.s32 $0x108;
	_ =	swait.ge @!p0 [sflag:s8], $0x0  }
0x24: {  	s3 =	sadd.s32 $0x88, s3;
	s6 =	simm.s32 @!p1 $0x1082;
	[sflag:s4] =	ssyncset.s32 $0xFFFFF086  }
0x25: {  	[simem:s6], [sflag:s4] =	dma.local [hbm:s3], $0xF7A  }
0x26: {  	[smem:$0x3F9A] =	sst s1;
	(tag) =	ssettag s2;
	_ =	strace s9  }
0x27: {  	s1 =	sld [smem:$0x3FAA]  }
0x28: {  	s2 =	sld [smem:$0x3FAB]  }
0x29: {  	s4 =	sld [smem:$0x3FAD]  }
0x2a: {  	p0 =	seq.s32 s5, $0x0;
	s5 =	sld [smem:$0x3FAE]  }
0x2b: {  	s6 =	sld [smem:$0x3FAF]  }
0x2c: {  	s7 =	sld [smem:$0x3FB0]  }
0x2d: {  	s3 =	simm.s32 $0x108;
	s8 =	sld [smem:$0x3FB1]  }
0x2e: {  	s3 =	simm.s32 @!p0 $0x1082;
	s9 =	sld [smem:$0x3FB2]  }
0x2f: {  	lr =	sadd.s32 s0, s3;
	s0 =	sld [smem:$0x3FA9]  }
0x30: {  	s3 =	sld [smem:$0x3FAC]  }
0x31: {  	[smem:$0x3FB5] =	sst s10  }
0x32: {  	s10 =	sld [smem:$0x3FB3];
	_ =	sdelay $0x3  }
0x33: {  	p0 =	seq.s32 s10, $0x1;
	s10 =	sld [smem:$0x3FB5];
	_ =	sdelay $0x3  }
0x34: {  	[smem:$0x3FB5] =	sst s10  }
0x35: {  	s10 =	sld [smem:$0x3FB4];
	_ =	sdelay $0x3  }
0x36: {  	p1 =	seq.s32 s10, $0x1;
	s10 =	sld [smem:$0x3FB5];
	_ =	sdelay $0x3  }
0x37: {  	[smem:$0x3FB5] =	sst s10  }
0x38: {  	s10 =	sld [smem:$0x3FB6]  }
0x39: {  	_ = 	snop;
	(pc) =	sbr.ind lr, $3  }
0x3a: {  	_ = 	snop  }
0x3b: {  	_ = 	snop  }
0x3c: {  	p2 =	seq.s32 s10, $0x1;
	s10 =	sld [smem:$0x3FB5]  }
0x3d: {  	_ =	shalt  }
0x3e: {  	_ =	shalt  }
0x3f: {  	_ =	shalt  }
0x40: {  	_ =	shalt  }
0x41: {  	_ =	shalt  }
0x42: {  	_ =	shalt  }
0x43: {  	_ =	shalt  }
0x44: {  	_ =	shalt  }
0x45: {  	_ =	shalt  }
0x46: {  	_ =	shalt  }
0x47: {  	_ =	shalt  }
0x48: {  	_ =	shalt  }
0x49: {  	_ =	shalt  }
0x4a: {  	_ =	shalt  }
0x4b: {  	_ =	shalt  }
0x4c: {  	_ =	shalt  }
0x4d: {  	_ =	shalt  }
0x4e: {  	_ =	shalt  }
0x4f: {  	_ =	shalt  }
0x50: {  	_ =	shalt  }
0x51: {  	_ =	shalt  }
0x52: {  	_ =	shalt  }
0x53: {  	_ =	shalt  }
0x54: {  	_ =	shalt  }
0x55: {  	_ =	shalt  }
0x56: {  	_ =	shalt  }
0x57: {  	_ =	shalt  }
0x58: {  	_ =	shalt  }
0x59: {  	_ =	shalt  }
0x5a: {  	_ =	shalt  }
0x5b: {  	_ =	shalt  }
0x5c: {  	_ =	shalt  }
0x5d: {  	_ =	shalt  }
0x5e: {  	_ =	shalt  }
0x5f: {  	_ =	shalt  }
0x60: {  	_ =	shalt  }
0x61: {  	_ =	shalt  }
0x62: {  	_ =	shalt  }
0x63: {  	_ =	shalt  }
0x64: {  	_ =	shalt  }
0x65: {  	_ =	shalt  }
0x66: {  	_ =	shalt  }
0x67: {  	_ =	shalt  }
0x68: {  	_ =	shalt  }
0x69: {  	_ =	shalt  }
0x6a: {  	_ =	shalt  }
0x6b: {  	_ =	shalt  }
0x6c: {  	_ =	shalt  }
0x6d: {  	_ =	shalt  }
0x6e: {  	_ =	shalt  }
0x6f: {  	_ =	shalt  }
0x70: {  	_ =	shalt  }
0x71: {  	_ =	shalt  }
0x72: {  	_ =	shalt  }
0x73: {  	_ =	shalt  }
0x74: {  	_ =	shalt  }
0x75: {  	_ =	shalt  }
0x76: {  	_ =	shalt  }
0x77: {  	_ =	shalt  }
0x78: {  	_ =	shalt  }
0x79: {  	_ =	shalt  }
0x7a: {  	_ =	shalt  }
0x7b: {  	_ =	shalt  }
0x7c: {  	_ =	shalt  }
0x7d: {  	_ =	shalt  }
0x7e: {  	_ =	shalt  }
0x7f: {  	_ =	shalt  }
0x80: {  	_ =	shalt  }
0x81: {  	_ =	shalt  }
0x82: {  	_ =	shalt  }
0x83: {  	_ =	shalt  }
0x84: {  	_ =	shalt  }
0x85: {  	_ =	shalt  }
0x86: {  	_ =	shalt  }
0x87: {  	_ =	shalt  }
.Lfunc_end0:
.L_simem_size_0:
called_computation_lowered:
.L_overlay_start_0:
0x88: {  	s2 =	sld [smem:$0x3FD9]  }
0x89: {  	s3 =	sld [smem:$0x3FFE];
	_ =	sdelay $0x1  }
0x8a: {  	s1 =	srdreg.scid  }
0x8b: {  	s0 =	sand.u32 $0x1, s1  }
0x8c: {  	s17 =	sshll.u32 s0, $0xA;
	s2 =	sadd.s32 s3, s2  }
0x8d: {  	s2 =	sadd.s32 s2, s17  }
0x8e: {  	[smem:$0x3FC1] =	sst s2  }
0x8f: {  	_ = 	snop  }
0x90: {  	s2 =	sld [smem:$0x3FC9]  }
0x91: {  	s18 =	sld [smem:$0x3FC8];
	(tm) =	ssettm $0x1  }
0x92: {  	s4 =	sld [smem:$0x3FFB];
	_ =	sdelay $0x3  }
0x93: {  	_ =	strace s4  }
0x94: {  	s4 =	sld [smem:$0x3FFC];
	_ =	sdelay $0x3  }
0x95: {  	_ =	strace s4  }
0x96: {  	s4 =	sld [smem:$0x3FFD];
	_ =	sdelay $0x3  }
0x97: {  	_ =	strace s4  }
0x98: {  	_ =	strace $0x8FFFFFFF  }
0x99: {  	s19 =	sld [smem:$0x3FDB];
	_ =	sdelay $0x1  }
0x9a: {  	s5 =	simm.s32 $_scs_section_size  }
0x9b: {  	s6 =	simm.s32 $_size__tile_overlayer_lowered;
	s7 =	simm.s32 $_tile_overlayer_lowered  }
0x9c: {  	s22 =	simm.s32 $0x1BFF;
	s21 =	sshll.u32 s7, $0x1;
	s4 =	sadd.s32 s5, s19  }
0x9d: {  	s8 =	simm.s32 $0x0;
	s20 =	sshll.u32 s6, $0x1;
	s6 =	sadd.s32 s21, s4  }
0x9e: {  	[timem:s8], [sflag:s22] =	dma.local [hbm:s6], s20  }
0x9f: {  	_ =	swait.ge [sflag:s22], s20  }
0xa0: {  	s5 =	ssub.s32 $0x0, s20;
	[sflag:s22] =	ssyncset.done $0x0  }
0xa1: {  	[sflag:s22] =	ssyncadd.s32 s5;
	_ =	sdelay $0x1  }
0xa2: {  	s23 =	simm.s32 $0x1B8B  }
0xa3: {  	_ =	swait.ge [sflag:s23], $0x1  }
0xa4: {  	[sflag:s23] =	ssyncset.done $0x0  }
0xa5: {  	s25 =	simm.s32 $0x1B8E;
	s24 =	sld [smem:$0x3FFE];
	[sflag:s23] =	ssyncadd.s32 $0xFFFFFFFF  }
0xa6: {  	s26 =	simm.s32 $execute0_lowered;
	[smem:$0x3FD2] =	sst s25  }
0xa7: {  	s6 =	sshll.u32 s26, $0x1;
	_ =	strace $0x80000046;
	[dreg:$0x1] =	wrdreg $0xFFFFFFFF  }
0xa8: {  	s28 =	simm.s32 $_size_execute0_lowered;
	s4 =	sadd.s32 s4, s6;
	[dreg:$0x0] =	wrdreg $0x0  }
0xa9: {  	s6 =	sshll.u32 s28, $0x1;
	[dreg:$0x2] =	wrdreg s4  }
0xaa: {  	[dreg:$0x3] =	wrdreg s6  }
0xab: {  	[dreg:$0x4] =	wrdreg $0xC0  }
0xac: {  	_ =	task [dreg:s8], $0x5FFFF  }
0xad: {  	[dreg:$0x1] =	wrdreg $0xFFFFFFFF  }
0xae: {  	[dreg:$0x0] =	wrdreg $0x60  }
0xaf: {  	[dreg:$0x2] =	wrdreg s2  }
0xb0: {  	[dreg:$0x3] =	wrdreg s18  }
0xb1: {  	[dreg:$0x4] =	wrdreg s24  }
0xb2: {  	[dreg:$0x5] =	wrdreg $0x9  }
0xb3: {  	_ =	task.clear_ibuf [dreg:s8], $0x6FFFF;
	_ =	strace $0x90000046  }
0xb4: {  	s29 =	simm.s32 $0x9;
	_ =	strace $0x80000048  }
0xb5: {  	_ =	swait.ge [sflag:s29], $0x1  }
0xb6: {  	[sflag:s29] =	ssyncadd.s32 $0xFFFFFFFF  }
0xb7: {  	_ =	strace $0x90000048  }
0xb8: {  	_ =	sfence  }
0xb9: {  	s30 =	sld [smem:$0x0];
	_ =	sdelay $0x2  }
0xba: {  	s31 =	sshll.u32 s1, $0xD;
	s1 =	sshrl.u32 s1, $0x2  }
0xbb: {  	s3 =	sand.u32 $0x4000, s31;
	s1 =	sadd.s32 s1, s30  }
0xbc: {  	s0 =	sor.u32 s3, s0;
	s1 =	sshll.u32 s1, $0x11  }
0xbd: {  	s0 =	sor.u32 s1, s0  }
0xbe: {  	s0 =	sadd.s32 $0x8F2B, s0  }
0xbf: {  	[sflag:s0] =	ssyncadd.remote.s32 $0x1  }
0xc0: {  	_ =	sfence.sel $0xFFFF  }
0xc1: {  	[dreg:$0x0] =	wrdreg $0xFFFFFFFF;
	(pc) =	sbr.abs _section_cstart, $3  }
0xc2: {  	[dreg:$0x1] =	wrdreg $0xFFFFFFFF  }
0xc3: {  	_ =	task.clear_ibuf [dreg:s8], $0x2FFFF;
	_ =	strace $0x9FFFFFFF  }
0xc4: {  	(tm) =	ssettm $0x7FFFFFFF  }
0xc5: {  	_ =	shalt  }
tec
execute0_lowered:
.L_overlay_start_1:
0x0: {  	(tag) =	ssettag $0x1  }
0x1: {  	s0 =	rddreg [dreg:$0x0];
	s1 =	srdreg.scid  }
0x2: {  	s2 =	stileid.u32;
	s4 =	rddreg [dreg:$0x2];
	s3 =	simm.s32 $0x2  }
0x3: {  	s1 =	sand.u32 $0x1, s1;
	s5 =	sshll.u32 s2, $0x1;
	s2 =	simm.s32 $0x0  }
0x4: {  	s5 =	sor.u32 s1, s5;
	[smem:$0x7FF] =	sst s2;
	s1 =	ssub.s32 $0x2, s1  }
0x5: {  	s6 =	sshll.u32 s5, $0x8;
	_ =	strace $0x80000047;
	s29 =	sshll.u32 s5, $0x7  }
0x6: {  	s28 =	sshrl.u32 s1, $0x1;
	s6 =	sadd.s32 s6, s4;
	s0 =	sadd.s32 s0, s29  }
0x7: {  	s1 =	ssub.s32 s1, s28;
	[dreg:$0x4] =	wrdreg s0;
	s30 =	sadd.s32 $0x1000, s6  }
0x8: {  	v3 =	vlaneseq.u32;
	v1 =	vimm.f32 $0.0e+00;
	v2 =	vimm.s32 $0x8;
	s7 =	sshll.u32 s5, $0xA;
	s31 =	smax.u32 s1, $0x1;
	[dreg:$0x5] =	wrdreg s30  }
0x9: {  	v4 =	vimm.f32 $1.000000000e+00;
	v0 =	vor.u32 s7, v3;
	v3 =	vmul.u32 $0x200, v3;
	s4 =	simm.s32 $0x480;
	s1 =	simm.s32 $0x0;
	[dreg:$0x6] =	wrdreg s31  }
.LBB2_1:
0xa: {  	[dreg:$0x7] =	wrdreg s1  }
0xb: {  	s0 =	rddreg [dreg:$0x4]  }
0xc: {  	[tilespmem:s2], [sflag:$0x1] =	stream.linear.gather [hbm4b:s0+s2], $0x400, $0x38;
	[tilespmem:$0x2C80] =	vst v63  }
0xd: {  	s30 =	rddreg [dreg:$0x1];
	s31 =	simm.s32 $0x400  }
0xe: {  	[tilespmem:s31], [sflag:$0x2] =	stream.linear.gather [hbm4b:s30+s2], $0x10, $0x38;
	[tilespmem:$0x2C80] =	vst v63  }
0xf: {  	_ =	swait.ge [sflag:s3], $0x10  }
0x10: {  	[sflag:s3] =	ssyncset.done $0x0  }
0x11: {  	s0 =	simm.s32 $0x500;
	[sflag:s3] =	ssyncadd.s32 $0xFFFFFFF0  }
0x12: {  	[tilespmem:s0+$0xFFFFFF80] =	vst v1  }
0x13: {  	[tilespmem:s0+$0x70] =	vst v1  }
0x14: {  	[tilespmem:s0+$0x60] =	vst v1  }
0x15: {  	[tilespmem:s0+$0x50] =	vst v1  }
0x16: {  	[tilespmem:s0+$0x40] =	vst v1  }
0x17: {  	[tilespmem:s0+$0x30] =	vst v1  }
0x18: {  	[tilespmem:s0+$0x20] =	vst v1  }
0x19: {  	[tilespmem:s0+$0x10] =	vst v1  }
0x1a: {  	[tilespmem:s0+$0x0] =	vst v1  }
0x1b: {  	[tilespmem:s0+$0xFFFFFFF0] =	vst v1  }
0x1c: {  	[tilespmem:s0+$0xFFFFFFE0] =	vst v1  }
0x1d: {  	[tilespmem:s0+$0xFFFFFFD0] =	vst v1  }
0x1e: {  	[tilespmem:s0+$0xFFFFFFC0] =	vst v1  }
0x1f: {  	[tilespmem:s0+$0xFFFFFFB0] =	vst v1  }
0x20: {  	s1 =	simm.s32 $0x0;
	[tilespmem:s0+$0xFFFFFFA0] =	vst v1  }
.LBB2_2:
0x21: {  	s1 =	sadd.s32 $0x10, s1;
	[tilespmem:s0+$0xFFFFFF90] =	vst v1;
	s0 =	sadd.s32 $0x100, s0  }
0x22: {  	[tilespmem:s0+$0xFFFFFF80] =	vst v1;
	p0 =	slt.u32 s1, $0x1F0  }
0x23: {  	[tilespmem:s0+$0x70] =	vst v1  }
0x24: {  	[tilespmem:s0+$0x60] =	vst v1  }
0x25: {  	[tilespmem:s0+$0x50] =	vst v1  }
0x26: {  	[tilespmem:s0+$0x40] =	vst v1  }
0x27: {  	[tilespmem:s0+$0x30] =	vst v1  }
0x28: {  	[tilespmem:s0+$0x20] =	vst v1  }
0x29: {  	[tilespmem:s0+$0x10] =	vst v1  }
0x2a: {  	[tilespmem:s0+$0x0] =	vst v1  }
0x2b: {  	[tilespmem:s0+$0xFFFFFFF0] =	vst v1  }
.Ltmp0:
0x2c: {  	[tilespmem:s0+$0xFFFFFFE0] =	vst v1;
	(pc) =	sbr.rel @p0 .LBB2_2-.Ltmp0, $4  }
0x2d: {  	[tilespmem:s0+$0xFFFFFFD0] =	vst v1  }
0x2e: {  	[tilespmem:s0+$0xFFFFFFC0] =	vst v1  }
0x2f: {  	[tilespmem:s0+$0xFFFFFFB0] =	vst v1  }
0x30: {  	[tilespmem:s0+$0xFFFFFFA0] =	vst v1  }
0x31: {  	[tilespmem:s0+$0xFFFFFF90] =	vst v1;
	s31 =	simm.s32 $0x1  }
0x32: {  	_ =	swait.ge [sflag:s31], $0x400  }
0x33: {  	[sflag:s31] =	ssyncset.done $0x0  }
0x34: {  	[sflag:s31] =	ssyncadd.s32 $0xFFFFFC00  }
0x35: {  	v5 =	vld [tilespmem:$0x400];
	_ =	sdelay $0x4  }
0x36: {  	v6 =	vperm.xlane v5, v2  }
0x37: {  	s15 =	simm.s32 $0xFFFFFFF8;
	s16 =	simm.s32 $0x40;
	v7 =	vmov v0  }
.LBB2_4:
0x38: {  	vm0 =	vgt.s32 v6, v7  }
0x39: {  	v8 =	vsel vm0, $0x0, v2  }
0x3a: {  	v9 =	vor.u32 $0x4, v8  }
0x3b: {  	v10 =	vperm.xlane v5, v9;
	_ =	sdelay $0x1  }
0x3c: {  	vm9 =	vgt.s32 v10, v7  }
0x3d: {  	v8 =	vsel vm9, v8, v9  }
0x3e: {  	v9 =	vor.u32 $0x2, v8  }
0x3f: {  	v49 =	vperm.xlane v5, v9;
	_ =	sdelay $0x1  }
0x40: {  	vm10 =	vgt.s32 v49, v7  }
0x41: {  	v50 =	vadd.s32 $0x10, v7;
	v8 =	vsel vm10, v8, v9  }
0x42: {  	vm11 =	vgt.s32 v6, v50;
	v51 =	vor.u32 $0x1, v8  }
0x43: {  	v11 =	vld [tilespmem:s16+$0xFFFFFFC0];
	v13 =	vsel vm11, $0x0, v2;
	v12 =	vperm.xlane v5, v51  }
0x44: {  	v14 =	vor.u32 $0x4, v13  }
0x45: {  	v52 =	vperm.xlane v5, v14;
	vm12 =	vgt.s32 v12, v7  }
0x46: {  	v8 =	vsel vm12, v8, v51  }
0x47: {  	vm13 =	vgt.s32 v52, v50;
	v8 =	vshll.u32 v8, $0x5  }
0x48: {  	v53 =	vsel vm13, v13, v14;
	v8 =	vadd.s32 v8, v11  }
0x49: {  	v54 =	vor.u32 $0x2, v53;
	v8 =	vadd.s32 v3, v8  }
0x4a: {  	v55 =	vperm.xlane v5, v54;
	_ =	sdelay $0x1  }
0x4b: {  	vm14 =	vgt.s32 v55, v50  }
0x4c: {  	v56 =	vadd.s32 $0x20, v7;
	v10 =	vsel vm14, v53, v54  }
0x4d: {  	vm15 =	vgt.s32 v6, v56;
	[tilespmem:v8+s4+$0x0] =	vst.idx.add.f32.msk $0xffff, v4;
	v8 =	vor.u32 $0x1, v10  }
0x4e: {  	v59 =	vsel vm15, $0x0, v2;
	v57 =	vld [tilespmem:s16+$0xFFFFFFD0];
	v58 =	vperm.xlane v5, v8  }
0x4f: {  	v15 =	vor.u32 $0x4, v59  }
0x50: {  	v60 =	vperm.xlane v5, v15;
	vm4 =	vgt.s32 v58, v50  }
0x51: {  	v8 =	vsel vm4, v10, v8  }
0x52: {  	vm5 =	vgt.s32 v60, v56;
	v8 =	vshll.u32 v8, $0x5  }
0x53: {  	v9 =	vsel vm5, v59, v15;
	v8 =	vadd.s32 v8, v57  }
0x54: {  	v61 =	vor.u32 $0x2, v9;
	v8 =	vadd.s32 v3, v8  }
0x55: {  	v62 =	vperm.xlane v5, v61;
	_ =	sdelay $0x1  }
0x56: {  	vm6 =	vgt.s32 v62, v56  }
0x57: {  	v63 =	vadd.s32 $0x30, v7;
	v9 =	vsel vm6, v9, v61  }
0x58: {  	vm7 =	vgt.s32 v6, v63;
	[tilespmem:v8+s4+$0x0] =	vst.idx.add.f32.msk $0xffff, v4;
	v8 =	vor.u32 $0x1, v9  }
0x59: {  	v20 =	vsel vm7, $0x0, v2;
	v18 =	vld [tilespmem:s16+$0xFFFFFFE0];
	v19 =	vperm.xlane v5, v8  }
0x5a: {  	v21 =	vor.u32 $0x4, v20  }
0x5b: {  	v22 =	vperm.xlane v5, v21;
	vm8 =	vgt.s32 v19, v56  }
0x5c: {  	v8 =	vsel vm8, v9, v8  }
0x5d: {  	vm9 =	vgt.s32 v22, v63;
	v8 =	vshll.u32 v8, $0x5  }
0x5e: {  	v23 =	vsel vm9, v20, v21;
	v8 =	vadd.s32 v8, v18  }
0x5f: {  	v24 =	vor.u32 $0x2, v23;
	v8 =	vadd.s32 v3, v8  }
0x60: {  	v25 =	vperm.xlane v5, v24;
	_ =	sdelay $0x1  }
0x61: {  	vm10 =	vgt.s32 v25, v63  }
0x62: {  	v26 =	vadd.s32 $0x40, v7;
	v9 =	vsel vm10, v23, v24  }
0x63: {  	vm11 =	vgt.s32 v6, v26;
	[tilespmem:v8+s4+$0x0] =	vst.idx.add.f32.msk $0xffff, v4;
	v8 =	vor.u32 $0x1, v9  }
0x64: {  	v29 =	vsel vm11, $0x0, v2;
	v27 =	vld [tilespmem:s16+$0xFFFFFFF0];
	v28 =	vperm.xlane v5, v8  }
0x65: {  	v30 =	vor.u32 $0x4, v29  }
0x66: {  	v31 =	vperm.xlane v5, v30;
	vm12 =	vgt.s32 v28, v63  }
0x67: {  	v8 =	vsel vm12, v9, v8  }
0x68: {  	vm13 =	vgt.s32 v31, v26;
	v8 =	vshll.u32 v8, $0x5  }
0x69: {  	v32 =	vsel vm13, v29, v30;
	v8 =	vadd.s32 v8, v27  }
0x6a: {  	v33 =	vor.u32 $0x2, v32;
	v8 =	vadd.s32 v3, v8  }
0x6b: {  	v34 =	vperm.xlane v5, v33;
	_ =	sdelay $0x1  }
0x6c: {  	vm14 =	vgt.s32 v34, v26  }
0x6d: {  	v35 =	vadd.s32 $0x50, v7;
	v9 =	vsel vm14, v32, v33  }
0x6e: {  	vm15 =	vgt.s32 v6, v35;
	[tilespmem:v8+s4+$0x0] =	vst.idx.add.f32.msk $0xffff, v4;
	v8 =	vor.u32 $0x1, v9  }
0x6f: {  	v38 =	vsel vm15, $0x0, v2;
	v36 =	vld [tilespmem:s16+$0x0];
	v37 =	vperm.xlane v5, v8  }
0x70: {  	v39 =	vor.u32 $0x4, v38  }
0x71: {  	v40 =	vperm.xlane v5, v39;
	vm4 =	vgt.s32 v37, v26  }
0x72: {  	v8 =	vsel vm4, v9, v8  }
0x73: {  	vm5 =	vgt.s32 v40, v35;
	v8 =	vshll.u32 v8, $0x5  }
0x74: {  	v41 =	vsel vm5, v38, v39;
	v8 =	vadd.s32 v8, v36  }
0x75: {  	v42 =	vor.u32 $0x2, v41;
	v8 =	vadd.s32 v3, v8  }
0x76: {  	v43 =	vperm.xlane v5, v42;
	_ =	sdelay $0x1  }
0x77: {  	vm6 =	vgt.s32 v43, v35  }
0x78: {  	v44 =	vadd.s32 $0x60, v7;
	v9 =	vsel vm6, v41, v42  }
0x79: {  	vm7 =	vgt.s32 v6, v44;
	[tilespmem:v8+s4+$0x0] =	vst.idx.add.f32.msk $0xffff, v4;
	v8 =	vor.u32 $0x1, v9  }
0x7a: {  	v47 =	vsel vm7, $0x0, v2;
	v45 =	vld [tilespmem:s16+$0x10];
	v46 =	vperm.xlane v5, v8  }
0x7b: {  	v48 =	vor.u32 $0x4, v47  }
0x7c: {  	v49 =	vperm.xlane v5, v48;
	vm8 =	vgt.s32 v46, v35  }
0x7d: {  	v8 =	vsel vm8, v9, v8  }
0x7e: {  	vm9 =	vgt.s32 v49, v44;
	v8 =	vshll.u32 v8, $0x5  }
0x7f: {  	v50 =	vsel vm9, v47, v48;
	v8 =	vadd.s32 v8, v45  }
0x80: {  	v51 =	vor.u32 $0x2, v50;
	v8 =	vadd.s32 v3, v8  }
0x81: {  	v52 =	vperm.xlane v5, v51;
	_ =	sdelay $0x1  }
0x82: {  	vm10 =	vgt.s32 v52, v44  }
0x83: {  	v53 =	vadd.s32 $0x70, v7;
	v9 =	vsel vm10, v50, v51  }
0x84: {  	vm11 =	vgt.s32 v6, v53;
	[tilespmem:v8+s4+$0x0] =	vst.idx.add.f32.msk $0xffff, v4;
	v8 =	vor.u32 $0x1, v9  }
0x85: {  	v56 =	vsel vm11, $0x0, v2;
	v54 =	vld [tilespmem:s16+$0x20];
	v55 =	vperm.xlane v5, v8  }
0x86: {  	v57 =	vor.u32 $0x4, v56  }
0x87: {  	v58 =	vperm.xlane v5, v57;
	vm12 =	vgt.s32 v55, v44  }
0x88: {  	v8 =	vsel vm12, v9, v8  }
0x89: {  	vm13 =	vgt.s32 v58, v53;
	v8 =	vshll.u32 v8, $0x5  }
0x8a: {  	v59 =	vsel vm13, v56, v57;
	v8 =	vadd.s32 v8, v54  }
0x8b: {  	v60 =	vor.u32 $0x2, v59;
	v8 =	vadd.s32 v3, v8  }
0x8c: {  	v61 =	vperm.xlane v5, v60;
	_ =	sdelay $0x1  }
0x8d: {  	vm14 =	vgt.s32 v61, v53  }
0x8e: {  	v9 =	vsel vm14, v59, v60  }
0x8f: {  	[tilespmem:v8+s4+$0x0] =	vst.idx.add.f32.msk $0xffff, v4;
	v8 =	vor.u32 $0x1, v9  }
0x90: {  	v62 =	vld [tilespmem:s16+$0x30];
	v63 =	vperm.xlane v5, v8;
	_ =	sdelay $0x1  }
0x91: {  	vm15 =	vgt.s32 v63, v53  }
0x92: {  	v8 =	vsel vm15, v9, v8  }
0x93: {  	v8 =	vshll.u32 v8, $0x5  }
0x94: {  	s15 =	sadd.s32 $0x8, s15;
	v8 =	vadd.s32 v8, v62  }
0x95: {  	p0 =	slt.u32 s15, $0x38;
	v8 =	vadd.s32 v3, v8  }
.Ltmp1:
0x96: {  	_ = 	snop;
	(pc) =	sbr.rel @p0 .LBB2_4-.Ltmp1, $3  }
0x97: {  	_ =	sdelay $0x1  }
0x98: {  	s13 =	simm.s32 $0x0  }
0x99: {  	s14 =	simm.s32 $0x2510;
	s17 =	simm.s32 $0x4A0;
	v7 =	vadd.s32 $0x80, v7;
	s16 =	sadd.s32 $0x80, s16;
	[tilespmem:v8+s4+$0x0] =	vst.idx.add.f32.msk $0xffff, v4  }
0x9a: {  	s16 =	sand.u32 $0x180, s13  }
0x9b: {  	s18 =	sand.u32 $0x40, s13;
	s0 =	sadd.s32 $0x680, s16  }
0x9c: {  	v6 =	vld [tilespmem:s17+$0xFFFFFFE0];
	s1 =	sor.u32 s18, s0  }
0x9d: {  	s12 =	sadd.s32 $0x880, s16;
	v5 =	vld [tilespmem:s1+$0x0]  }
0x9e: {  	s19 =	sor.u32 s18, s12  }
0x9f: {  	s15 =	sadd.s32 $0xA80, s16;
	v7 =	vld [tilespmem:s19+$0x0]  }
0xa0: {  	s26 =	sor.u32 s18, s15  }
0xa1: {  	s20 =	sadd.s32 $0xC80, s16;
	v8 =	vld [tilespmem:s26+$0x0]  }
0xa2: {  	s28 =	sor.u32 s18, s20;
	v5 =	vadd.f32 v5, v6  }
0xa3: {  	s21 =	sadd.s32 $0xE80, s16;
	v6 =	vld [tilespmem:s28+$0x0]  }
0xa4: {  	s29 =	sor.u32 s18, s21;
	v5 =	vadd.f32 v7, v5  }
0xa5: {  	s22 =	sadd.s32 $0x1080, s16;
	v7 =	vld [tilespmem:s29+$0x0]  }
0xa6: {  	s30 =	sor.u32 s18, s22;
	v5 =	vadd.f32 v8, v5  }
0xa7: {  	s23 =	sadd.s32 $0x1280, s16;
	v8 =	vld [tilespmem:s30+$0x0]  }
0xa8: {  	s31 =	sor.u32 s18, s23;
	v5 =	vadd.f32 v6, v5  }
0xa9: {  	s24 =	sadd.s32 $0x1480, s16;
	v6 =	vld [tilespmem:s31+$0x0]  }
0xaa: {  	s2 =	sor.u32 s18, s24;
	v5 =	vadd.f32 v7, v5  }
0xab: {  	s25 =	sadd.s32 $0x1680, s16;
	v7 =	vld [tilespmem:s2+$0x0]  }
0xac: {  	s3 =	sor.u32 s18, s25;
	v5 =	vadd.f32 v8, v5  }
0xad: {  	s26 =	sadd.s32 $0x1880, s16;
	v8 =	vld [tilespmem:s3+$0x0]  }
0xae: {  	s4 =	sor.u32 s18, s26;
	v5 =	vadd.f32 v6, v5  }
0xaf: {  	s28 =	sadd.s32 $0x1A80, s16;
	v6 =	vld [tilespmem:s4+$0x0]  }
0xb0: {  	s5 =	sor.u32 s18, s28;
	v5 =	vadd.f32 v7, v5  }
0xb1: {  	s29 =	sadd.s32 $0x1C80, s16;
	v7 =	vld [tilespmem:s5+$0x0]  }
0xb2: {  	s6 =	sor.u32 s18, s29;
	v5 =	vadd.f32 v8, v5  }
0xb3: {  	s30 =	sadd.s32 $0x1E80, s16;
	v8 =	vld [tilespmem:s6+$0x0]  }
0xb4: {  	s7 =	sor.u32 s18, s30;
	v5 =	vadd.f32 v6, v5  }
0xb5: {  	s31 =	sadd.s32 $0x2080, s16;
	v6 =	vld [tilespmem:s7+$0x0]  }
0xb6: {  	s8 =	sor.u32 s18, s31;
	v5 =	vadd.f32 v7, v5  }
0xb7: {  	s16 =	sadd.s32 $0x2280, s16;
	v7 =	vld [tilespmem:s8+$0x0]  }
0xb8: {  	s18 =	sor.u32 s18, s16;
	v5 =	vadd.f32 v8, v5  }
0xb9: {  	v8 =	vld [tilespmem:s18+$0x0]  }
0xba: {  	v5 =	vadd.f32 v6, v5;
	_ =	sdelay $0x1  }
0xbb: {  	v5 =	vadd.f32 v7, v5;
	_ =	sdelay $0x1  }
0xbc: {  	s9 =	simm.s32 $0x10;
	v5 =	vadd.f32 v8, v5  }
0xbd: {  	s18 =	sand.u32 $0x50, s9  }
0xbe: {  	s0 =	sor.u32 s18, s0;
	[tilespmem:s14+$0xFFFFFF70] =	vst v5  }
0xbf: {  	v5 =	vld [tilespmem:s0+$0x0]  }
0xc0: {  	v6 =	vld [tilespmem:s17+$0xFFFFFFF0]  }
0xc1: {  	s10 =	sor.u32 s18, s12  }
0xc2: {  	v7 =	vld [tilespmem:s10+$0x0]  }
0xc3: {  	s11 =	sor.u32 s18, s15  }
0xc4: {  	v8 =	vld [tilespmem:s11+$0x0]  }
0xc5: {  	s12 =	sor.u32 s18, s20;
	v5 =	vadd.f32 v5, v6  }
0xc6: {  	v6 =	vld [tilespmem:s12+$0x0]  }
0xc7: {  	s15 =	sor.u32 s18, s21;
	v5 =	vadd.f32 v7, v5  }
0xc8: {  	v7 =	vld [tilespmem:s15+$0x0]  }
0xc9: {  	s19 =	sor.u32 s18, s22;
	v5 =	vadd.f32 v8, v5  }
0xca: {  	v8 =	vld [tilespmem:s19+$0x0]  }
0xcb: {  	s20 =	sor.u32 s18, s23;
	v5 =	vadd.f32 v6, v5  }
0xcc: {  	v6 =	vld [tilespmem:s20+$0x0]  }
0xcd: {  	s21 =	sor.u32 s18, s24;
	v5 =	vadd.f32 v7, v5  }
0xce: {  	v7 =	vld [tilespmem:s21+$0x0]  }
0xcf: {  	s22 =	sor.u32 s18, s25;
	v5 =	vadd.f32 v8, v5  }
0xd0: {  	v8 =	vld [tilespmem:s22+$0x0]  }
0xd1: {  	s23 =	sor.u32 s18, s26;
	v5 =	vadd.f32 v6, v5  }
0xd2: {  	v6 =	vld [tilespmem:s23+$0x0]  }
0xd3: {  	s24 =	sor.u32 s18, s28;
	v5 =	vadd.f32 v7, v5  }
0xd4: {  	v7 =	vld [tilespmem:s24+$0x0]  }
0xd5: {  	s25 =	sor.u32 s18, s29;
	v5 =	vadd.f32 v8, v5  }
0xd6: {  	v8 =	vld [tilespmem:s25+$0x0]  }
0xd7: {  	s26 =	sor.u32 s18, s30;
	v5 =	vadd.f32 v6, v5  }
0xd8: {  	v6 =	vld [tilespmem:s26+$0x0]  }
0xd9: {  	s28 =	sor.u32 s18, s31;
	v5 =	vadd.f32 v7, v5  }
0xda: {  	v7 =	vld [tilespmem:s28+$0x0]  }
0xdb: {  	s29 =	sor.u32 s18, s16;
	v5 =	vadd.f32 v8, v5  }
0xdc: {  	v8 =	vld [tilespmem:s29+$0x0]  }
0xdd: {  	v5 =	vadd.f32 v6, v5;
	_ =	sdelay $0x1  }
0xde: {  	v5 =	vadd.f32 v7, v5;
	_ =	sdelay $0x1  }
0xdf: {  	v5 =	vadd.f32 v8, v5;
	_ =	sdelay $0x1  }
0xe0: {  	s30 =	simm.s32 $0x20;
	[tilespmem:s14+$0xFFFFFF80] =	vst v5  }
0xe1: {  	s0 =	sand.u32 $0x1E0, s30;
	v5 =	vld [tilespmem:s17+$0x0]  }
0xe2: {  	v6 =	vld [tilespmem:s0+$0x680];
	_ =	sdelay $0x1  }
0xe3: {  	v7 =	vld [tilespmem:s0+$0x880];
	_ =	sdelay $0x1  }
0xe4: {  	v8 =	vld [tilespmem:s0+$0xA80]  }
0xe5: {  	v5 =	vadd.f32 v6, v5  }
0xe6: {  	v6 =	vld [tilespmem:s0+$0xC80]  }
0xe7: {  	v5 =	vadd.f32 v7, v5  }
0xe8: {  	v7 =	vld [tilespmem:s0+$0xE80]  }
0xe9: {  	v5 =	vadd.f32 v8, v5  }
0xea: {  	v8 =	vld [tilespmem:s0+$0x1080]  }
0xeb: {  	v5 =	vadd.f32 v6, v5  }
0xec: {  	v6 =	vld [tilespmem:s0+$0x1280]  }
0xed: {  	v5 =	vadd.f32 v7, v5  }
0xee: {  	v7 =	vld [tilespmem:s0+$0x1480]  }
0xef: {  	v5 =	vadd.f32 v8, v5  }
0xf0: {  	v8 =	vld [tilespmem:s0+$0x1680]  }
0xf1: {  	v5 =	vadd.f32 v6, v5  }
0xf2: {  	v6 =	vld [tilespmem:s0+$0x1880]  }
0xf3: {  	v5 =	vadd.f32 v7, v5  }
0xf4: {  	v7 =	vld [tilespmem:s0+$0x1A80]  }
0xf5: {  	v5 =	vadd.f32 v8, v5  }
0xf6: {  	v8 =	vld [tilespmem:s0+$0x1C80]  }
0xf7: {  	v5 =	vadd.f32 v6, v5  }
0xf8: {  	v6 =	vld [tilespmem:s0+$0x1E80]  }
0xf9: {  	v5 =	vadd.f32 v7, v5  }
0xfa: {  	v7 =	vld [tilespmem:s0+$0x2080]  }
0xfb: {  	v5 =	vadd.f32 v8, v5  }
0xfc: {  	v8 =	vld [tilespmem:s0+$0x2280]  }
0xfd: {  	v5 =	vadd.f32 v6, v5;
	_ =	sdelay $0x1  }
0xfe: {  	v5 =	vadd.f32 v7, v5;
	_ =	sdelay $0x1  }
0xff: {  	v5 =	vadd.f32 v8, v5;
	_ =	sdelay $0x1  }
0x100: {  	s31 =	simm.s32 $0x30;
	[tilespmem:s14+$0xFFFFFFF0] =	vst v5  }
0x101: {  	s0 =	sand.u32 $0x1F0, s31;
	v5 =	vld [tilespmem:s17+$0x10]  }
0x102: {  	v6 =	vld [tilespmem:s0+$0x680];
	_ =	sdelay $0x1  }
0x103: {  	v7 =	vld [tilespmem:s0+$0x880];
	_ =	sdelay $0x1  }
0x104: {  	v8 =	vld [tilespmem:s0+$0xA80]  }
0x105: {  	v5 =	vadd.f32 v6, v5  }
0x106: {  	v6 =	vld [tilespmem:s0+$0xC80]  }
0x107: {  	v5 =	vadd.f32 v7, v5  }
0x108: {  	v7 =	vld [tilespmem:s0+$0xE80]  }
0x109: {  	v5 =	vadd.f32 v8, v5  }
0x10a: {  	v8 =	vld [tilespmem:s0+$0x1080]  }
0x10b: {  	v5 =	vadd.f32 v6, v5  }
0x10c: {  	v6 =	vld [tilespmem:s0+$0x1280]  }
0x10d: {  	v5 =	vadd.f32 v7, v5  }
0x10e: {  	v7 =	vld [tilespmem:s0+$0x1480]  }
0x10f: {  	v5 =	vadd.f32 v8, v5  }
0x110: {  	v8 =	vld [tilespmem:s0+$0x1680]  }
0x111: {  	v5 =	vadd.f32 v6, v5  }
0x112: {  	v6 =	vld [tilespmem:s0+$0x1880]  }
0x113: {  	v5 =	vadd.f32 v7, v5  }
0x114: {  	v7 =	vld [tilespmem:s0+$0x1A80]  }
0x115: {  	v5 =	vadd.f32 v8, v5  }
0x116: {  	v8 =	vld [tilespmem:s0+$0x1C80]  }
0x117: {  	v5 =	vadd.f32 v6, v5  }
0x118: {  	v9 =	vld [tilespmem:s0+$0x1E80]  }
0x119: {  	v5 =	vadd.f32 v7, v5  }
0x11a: {  	v6 =	vld [tilespmem:s0+$0x2080]  }
0x11b: {  	v7 =	vadd.f32 v8, v5  }
0x11c: {  	v5 =	vld [tilespmem:s0+$0x2280]  }
0x11d: {  	v7 =	vadd.f32 v9, v7  }
0x11e: {  	s16 =	simm.s32 $0x4E0;
	s15 =	simm.s32 $0x0;
	s17 =	simm.s32 $0x2510  }
.LBB2_6:
0x11f: {  	s15 =	sadd.s32 $0x4, s15;
	v6 =	vadd.f32 v6, v7;
	s13 =	sadd.s32 $0x40, s13;
	s14 =	sadd.s32 $0x100, s14  }
0x120: {  	p0 =	slt.u32 s15, $0x1C  }
0x121: {  	s0 =	sand.u32 $0x180, s13;
	v5 =	vadd.f32 v5, v6  }
0x122: {  	s2 =	sand.u32 $0x40, s13;
	s18 =	sadd.s32 $0x680, s0;
	s19 =	sadd.s32 $0x880, s0  }
0x123: {  	s20 =	sadd.s32 $0xA80, s0;
	s1 =	sor.u32 s2, s18;
	s26 =	sor.u32 s2, s19;
	[tilespmem:s17+$0x0] =	vst v5  }
0x124: {  	s21 =	sadd.s32 $0xC80, s0;
	s22 =	sadd.s32 $0xE80, s0;
	v5 =	vld [tilespmem:s1+$0x0];
	s1 =	sor.u32 s2, s20  }
0x125: {  	s23 =	sadd.s32 $0x1080, s0;
	s7 =	sor.u32 s2, s22;
	s17 =	sor.u32 s2, s21;
	v6 =	vld [tilespmem:s16+$0xFFFFFFE0]  }
0x126: {  	s24 =	sadd.s32 $0x1280, s0;
	s25 =	sadd.s32 $0x1480, s0;
	s11 =	sor.u32 s2, s23  }
0x127: {  	s4 =	sor.u32 s2, s24;
	s5 =	sor.u32 s2, s25;
	v7 =	vld [tilespmem:s26+$0x0];
	s26 =	sadd.s32 $0x1680, s0  }
0x128: {  	s28 =	sadd.s32 $0x1880, s0;
	s29 =	sadd.s32 $0x1A80, s0;
	s6 =	sor.u32 s2, s26  }
0x129: {  	s30 =	sadd.s32 $0x1C80, s0;
	s3 =	sor.u32 s2, s28;
	s9 =	sor.u32 s2, s29;
	v8 =	vld [tilespmem:s1+$0x0]  }
0x12a: {  	s31 =	sadd.s32 $0x1E80, s0;
	s8 =	sor.u32 s2, s30;
	s1 =	sadd.s32 $0x2080, s0;
	v5 =	vadd.f32 v5, v6  }
0x12b: {  	s12 =	sor.u32 s2, s31;
	s0 =	sadd.s32 $0x2280, s0;
	s10 =	sor.u32 s2, s1;
	v6 =	vld [tilespmem:s17+$0x0]  }
0x12c: {  	s2 =	sor.u32 s2, s0;
	s17 =	smov.u32 s14;
	v5 =	vadd.f32 v7, v5  }
0x12d: {  	v7 =	vld [tilespmem:s7+$0x0]  }
0x12e: {  	v5 =	vadd.f32 v8, v5  }
0x12f: {  	v8 =	vld [tilespmem:s11+$0x0]  }
0x130: {  	v5 =	vadd.f32 v6, v5  }
0x131: {  	v6 =	vld [tilespmem:s4+$0x0]  }
0x132: {  	v5 =	vadd.f32 v7, v5  }
0x133: {  	v7 =	vld [tilespmem:s5+$0x0]  }
0x134: {  	v5 =	vadd.f32 v8, v5  }
0x135: {  	v8 =	vld [tilespmem:s6+$0x0]  }
0x136: {  	v5 =	vadd.f32 v6, v5  }
0x137: {  	v6 =	vld [tilespmem:s3+$0x0]  }
0x138: {  	v5 =	vadd.f32 v7, v5  }
0x139: {  	v7 =	vld [tilespmem:s9+$0x0]  }
0x13a: {  	v5 =	vadd.f32 v8, v5  }
0x13b: {  	v8 =	vld [tilespmem:s8+$0x0]  }
0x13c: {  	v5 =	vadd.f32 v6, v5  }
0x13d: {  	v6 =	vld [tilespmem:s12+$0x0]  }
0x13e: {  	v5 =	vadd.f32 v7, v5  }
0x13f: {  	v7 =	vld [tilespmem:s10+$0x0]  }
0x140: {  	v5 =	vadd.f32 v8, v5  }
0x141: {  	v8 =	vld [tilespmem:s2+$0x0]  }
0x142: {  	v5 =	vadd.f32 v6, v5;
	_ =	sdelay $0x1  }
0x143: {  	v5 =	vadd.f32 v7, v5;
	_ =	sdelay $0x1  }
0x144: {  	v5 =	vadd.f32 v8, v5  }
0x145: {  	s2 =	sadd.s32 $0x10, s13  }
0x146: {  	s2 =	sand.u32 $0x50, s2;
	[tilespmem:s14+$0xFFFFFF70] =	vst v5  }
0x147: {  	s3 =	sor.u32 s2, s18;
	s4 =	sor.u32 s2, s19;
	s5 =	sor.u32 s2, s20;
	v5 =	vld [tilespmem:s16+$0xFFFFFFF0]  }
0x148: {  	s6 =	sor.u32 s2, s22;
	s7 =	sor.u32 s2, s23;
	v6 =	vld [tilespmem:s3+$0x0];
	s3 =	sor.u32 s2, s21  }
0x149: {  	s8 =	sor.u32 s2, s24;
	s9 =	sor.u32 s2, s25;
	s10 =	sor.u32 s2, s26  }
0x14a: {  	s11 =	sor.u32 s2, s29;
	s12 =	sor.u32 s2, s30;
	v7 =	vld [tilespmem:s4+$0x0];
	s4 =	sor.u32 s2, s28  }
0x14b: {  	s18 =	sor.u32 s2, s31;
	s1 =	sor.u32 s2, s1;
	s0 =	sor.u32 s2, s0  }
0x14c: {  	v8 =	vld [tilespmem:s5+$0x0]  }
0x14d: {  	v5 =	vadd.f32 v6, v5  }
0x14e: {  	v6 =	vld [tilespmem:s3+$0x0]  }
0x14f: {  	v5 =	vadd.f32 v7, v5  }
0x150: {  	v7 =	vld [tilespmem:s6+$0x0]  }
0x151: {  	v5 =	vadd.f32 v8, v5  }
0x152: {  	v8 =	vld [tilespmem:s7+$0x0]  }
0x153: {  	v5 =	vadd.f32 v6, v5  }
0x154: {  	v6 =	vld [tilespmem:s8+$0x0]  }
0x155: {  	v5 =	vadd.f32 v7, v5  }
0x156: {  	v7 =	vld [tilespmem:s9+$0x0]  }
0x157: {  	v5 =	vadd.f32 v8, v5  }
0x158: {  	v8 =	vld [tilespmem:s10+$0x0]  }
0x159: {  	v5 =	vadd.f32 v6, v5  }
0x15a: {  	v6 =	vld [tilespmem:s4+$0x0]  }
0x15b: {  	v5 =	vadd.f32 v7, v5  }
0x15c: {  	v7 =	vld [tilespmem:s11+$0x0]  }
0x15d: {  	v5 =	vadd.f32 v8, v5  }
0x15e: {  	v8 =	vld [tilespmem:s12+$0x0]  }
0x15f: {  	v5 =	vadd.f32 v6, v5  }
0x160: {  	v6 =	vld [tilespmem:s18+$0x0]  }
0x161: {  	v5 =	vadd.f32 v7, v5  }
0x162: {  	v7 =	vld [tilespmem:s1+$0x0]  }
0x163: {  	v5 =	vadd.f32 v8, v5  }
0x164: {  	v8 =	vld [tilespmem:s0+$0x0]  }
0x165: {  	v5 =	vadd.f32 v6, v5;
	_ =	sdelay $0x1  }
0x166: {  	v5 =	vadd.f32 v7, v5;
	_ =	sdelay $0x1  }
0x167: {  	v5 =	vadd.f32 v8, v5;
	_ =	sdelay $0x1  }
0x168: {  	s0 =	sadd.s32 $0x20, s13;
	[tilespmem:s14+$0xFFFFFF80] =	vst v5  }
0x169: {  	s0 =	sand.u32 $0x1E0, s0;
	v5 =	vld [tilespmem:s16+$0x0]  }
0x16a: {  	v6 =	vld [tilespmem:s0+$0x680];
	_ =	sdelay $0x1  }
0x16b: {  	v7 =	vld [tilespmem:s0+$0x880];
	_ =	sdelay $0x1  }
0x16c: {  	v8 =	vld [tilespmem:s0+$0xA80]  }
0x16d: {  	v5 =	vadd.f32 v6, v5  }
0x16e: {  	v6 =	vld [tilespmem:s0+$0xC80]  }
0x16f: {  	v5 =	vadd.f32 v7, v5  }
0x170: {  	v7 =	vld [tilespmem:s0+$0xE80]  }
0x171: {  	v5 =	vadd.f32 v8, v5  }
0x172: {  	v8 =	vld [tilespmem:s0+$0x1080]  }
0x173: {  	v5 =	vadd.f32 v6, v5  }
0x174: {  	v6 =	vld [tilespmem:s0+$0x1280]  }
0x175: {  	v5 =	vadd.f32 v7, v5  }
0x176: {  	v7 =	vld [tilespmem:s0+$0x1480]  }
0x177: {  	v5 =	vadd.f32 v8, v5  }
0x178: {  	v8 =	vld [tilespmem:s0+$0x1680]  }
0x179: {  	v5 =	vadd.f32 v6, v5  }
0x17a: {  	v6 =	vld [tilespmem:s0+$0x1880]  }
0x17b: {  	v5 =	vadd.f32 v7, v5  }
0x17c: {  	v7 =	vld [tilespmem:s0+$0x1A80]  }
0x17d: {  	v5 =	vadd.f32 v8, v5  }
0x17e: {  	v8 =	vld [tilespmem:s0+$0x1C80]  }
0x17f: {  	v5 =	vadd.f32 v6, v5  }
0x180: {  	v6 =	vld [tilespmem:s0+$0x1E80]  }
0x181: {  	v5 =	vadd.f32 v7, v5  }
0x182: {  	v7 =	vld [tilespmem:s0+$0x2080]  }
0x183: {  	v5 =	vadd.f32 v8, v5  }
0x184: {  	v8 =	vld [tilespmem:s0+$0x2280]  }
0x185: {  	v5 =	vadd.f32 v6, v5;
	_ =	sdelay $0x1  }
0x186: {  	v5 =	vadd.f32 v7, v5;
	_ =	sdelay $0x1  }
0x187: {  	v5 =	vadd.f32 v8, v5;
	_ =	sdelay $0x1  }
0x188: {  	s0 =	sadd.s32 $0x30, s13;
	[tilespmem:s14+$0xFFFFFFF0] =	vst v5  }
0x189: {  	s0 =	sand.u32 $0x1F0, s0;
	v5 =	vld [tilespmem:s16+$0x10]  }
0x18a: {  	v6 =	vld [tilespmem:s0+$0x680]  }
0x18b: {  	v7 =	vld [tilespmem:s0+$0x880]  }
0x18c: {  	v8 =	vld [tilespmem:s0+$0xA80]  }
0x18d: {  	v9 =	vld [tilespmem:s0+$0xC80]  }
0x18e: {  	v10 =	vld [tilespmem:s0+$0xE80]  }
0x18f: {  	v5 =	vadd.f32 v6, v5;
	v11 =	vld [tilespmem:s0+$0x1080]  }
0x190: {  	v12 =	vld [tilespmem:s0+$0x1280]  }
0x191: {  	v5 =	vadd.f32 v7, v5;
	v7 =	vld [tilespmem:s0+$0x1480]  }
0x192: {  	v13 =	vld [tilespmem:s0+$0x1680]  }
0x193: {  	v5 =	vadd.f32 v8, v5;
	v8 =	vld [tilespmem:s0+$0x1880]  }
0x194: {  	v14 =	vld [tilespmem:s0+$0x1A80]  }
0x195: {  	v5 =	vadd.f32 v9, v5;
	v9 =	vld [tilespmem:s0+$0x1C80]  }
0x196: {  	v15 =	vld [tilespmem:s0+$0x1E80]  }
0x197: {  	v10 =	vadd.f32 v10, v5;
	v6 =	vld [tilespmem:s0+$0x2080]  }
0x198: {  	v5 =	vld [tilespmem:s0+$0x2280]  }
0x199: {  	v10 =	vadd.f32 v11, v10;
	_ =	sdelay $0x1  }
0x19a: {  	v10 =	vadd.f32 v12, v10;
	_ =	sdelay $0x1  }
0x19b: {  	v7 =	vadd.f32 v7, v10;
	_ =	sdelay $0x1  }
0x19c: {  	v7 =	vadd.f32 v13, v7;
	_ =	sdelay $0x1  }
0x19d: {  	v7 =	vadd.f32 v8, v7;
	_ =	sdelay $0x1  }
0x19e: {  	v7 =	vadd.f32 v14, v7  }
.Ltmp2:
0x19f: {  	(pc) =	sbr.rel @p0 .LBB2_6-.Ltmp2, $3  }
0x1a0: {  	v7 =	vadd.f32 v9, v7;
	_ =	sdelay $0x1  }
0x1a1: {  	v7 =	vadd.f32 v15, v7  }
0x1a2: {  	s16 =	sadd.s32 $0x40, s16  }
0x1a3: {  	v6 =	vadd.f32 v6, v7;
	_ =	sdelay $0x1  }
0x1a4: {  	v5 =	vadd.f32 v5, v6  }
0x1a5: {  	s2 =	simm.s32 $0x0  }
0x1a6: {  	s0 =	rddreg [dreg:$0x5];
	s1 =	simm.s32 $0x2480;
	s3 =	simm.s32 $0x2;
	[tilespmem:s17+$0x0] =	vst v5  }
0x1a7: {  	[hbm4b:s0+s2] =	stream.linear.scatter [tilespmem:s1], [sflag:$0x2], $0x800, $0x38;
	[tilespmem:$0x2C80] =	vst v63  }
0x1a8: {  	_ =	swait.ge [sflag:s3], $0x800  }
0x1a9: {  	s30 =	rddreg [dreg:$0x7]  }
0x1aa: {  	s31 =	rddreg [dreg:$0x6];
	s1 =	sadd.s32 $0x1, s30  }
0x1ab: {  	p0 =	sne.s32 s1, s31  }
.Ltmp3:
0x1ac: {  	_ = 	snop;
	(pc) =	sbr.rel @p0 .LBB2_1-.Ltmp3, $3  }
0x1ad: {  	_ =	sdelay $0x1  }
0x1ae: {  	[sflag:s3] =	ssyncset.done $0x0  }
0x1af: {  	s4 =	simm.s32 $0x480;
	[sflag:s3] =	ssyncadd.s32 $0xFFFFF800  }
0x1b0: {  	_ =	sfence.sel $0x180000  }
0x1b1: {  	[bflag:$0x0] =	sbarrier.arrive $0xFFFF  }
0x1b2: {  	_ =	strace $0x90000047  }
0x1b3: {  	s0 =	stileid.u32;
	[bflag:$0x2] =	sbarrier.arrive $0xFFFF  }
0x1b4: {  	p0 =	sne.s32 s0, $0x0;
	s0 =	rddreg [dreg:$0x3]  }
0x1b5: {  	s0 =	sadd.s32 @!p0 $0x100000, s0  }
0x1b6: {  	[sflag:s0] =	ssyncadd.tile.s32 @!p0 $0x1;
	_ =	shalt  }
.Lfunc_end2:
_tile_overlayer_lowered:
.L_overlay_start_2:
0x1b7: {  	(tag) =	ssettag $0x2  }
0x1b8: {  	s0 =	rddreg [dreg:$0x0];
	s2 =	stileid.u32  }
0x1b9: {  	s1 =	rddreg [dreg:$0x1];
	p0 =	sne.s32 s2, $0x0  }
0x1ba: {  	s3 =	rddreg [dreg:$0x2];
	[bflag:$0x3] =	sbarrier.arrive $0xFFFF;
	s2 =	simm.s32 @!p0 $0x1C02  }
0x1bb: {  	[timem:s3], [sflag:s2] =	dma.local @!p0 [hbm:s0], s1  }
0x1bc: {  	s0 =	simm.s32 @!p0 $0x2  }
0x1bd: {  	_ =	swait.ge @!p0 [sflag:s0], s1  }
0x1be: {  	s1 =	ssub.s32 @!p0 $0x0, s1;
	[sflag:s0] =	ssyncset.done @!p0 $0x0  }
0x1bf: {  	[sflag:s0] =	ssyncadd.s32 @!p0 s1  }
0x1c0: {  	[bflag:$0x3] =	sbarrier.arrive $0xFFFF  }
0x1c1: {  	_ =	shalt  }

</sc_bundles>
